<compile_context>
chip_gen: v7x
topology: tpu7x:2x2x1
jax: 0.10.2.dev20260603
libtpu: 0.0.44.dev20260713+nightly
codegen_flags: <defaults>
</compile_context>

<pallas_src>
import functools

import jax
import jax.numpy as jnp
from jax.experimental import pallas as pl
from jax.experimental.pallas import tpu as pltpu

BN_EPS = 1e-5
NEG_BIG = -1e9


def _lstm_step(x, h, c, wih, whh, bias):
    g = (jnp.dot(x, wih, preferred_element_type=jnp.float32)
         + jnp.dot(h, whh, preferred_element_type=jnp.float32) + bias)
    H = h.shape[-1]
    gi = g[:, 0:H]
    gf = g[:, H:2 * H]
    gg = g[:, 2 * H:3 * H]
    go = g[:, 3 * H:4 * H]
    c2 = jax.nn.sigmoid(gf) * c + jax.nn.sigmoid(gi) * jnp.tanh(gg)
    h2 = jax.nn.sigmoid(go) * jnp.tanh(c2)
    return h2, c2


def _enc_body(Bblk, M, K, N, EMB, H,
              feat_ref, w1t_ref, b1_ref, w2t_ref, b2_ref,
              wih_ref, whh_ref, bias_ref,
              r_ref, part_ref, h_ref, c_ref):
    t = pl.program_id(1)

    @pl.when(t == 0)
    def _init():
        h_ref[...] = jnp.zeros_like(h_ref)
        c_ref[...] = jnp.zeros_like(c_ref)

    x5 = feat_ref[...].reshape(Bblk, M, K, 3)
    vis = x5[..., 2]
    w = (vis > 0.5).astype(jnp.float32)
    denom = jnp.maximum(w.sum(axis=-1), 1.0)
    rootx = (x5[..., 0] * w).sum(axis=-1) / denom
    rooty = (x5[..., 1] * w).sum(axis=-1) / denom
    rootv = (vis.max(axis=-1) > 0.5).astype(jnp.float32)
    root = jnp.stack([rootx, rooty, rootv], axis=-1)
    xall = jnp.concatenate([x5, root[:, :, None, :]], axis=2)
    X = xall.reshape(Bblk * N, 3)

    a1 = jax.nn.relu(jnp.dot(X, w1t_ref[...],
                             preferred_element_type=jnp.float32) + b1_ref[...])
    v = jnp.dot(a1, w2t_ref[...], preferred_element_type=jnp.float32) + b2_ref[...]

    h2, c2 = _lstm_step(v, h_ref[...], c_ref[...],
                        wih_ref[...], whh_ref[...], bias_ref[...])
    h_ref[...] = h2
    c_ref[...] = c2
    r_ref[...] = h2.reshape(Bblk, 1, N, H)
    s = h2.sum(axis=0)[None, :]
    sq = (h2 * h2).sum(axis=0)[None, :]
    part_ref[...] = jnp.concatenate([s, sq], axis=0).reshape(1, 1, 2, H)


def _bn_body(count, gamma_ref, beta_ref, part_ref, out_ref):
    p = part_ref[...].sum(axis=0)
    mean = p[:, 0, :] / count
    msq = p[:, 1, :] / count
    var = msq - mean * mean
    invstd = jax.lax.rsqrt(var + BN_EPS)
    scale = gamma_ref[...] * invstd
    shift = beta_ref[...] - mean * scale
    out_ref[...] = jnp.stack([scale, shift], axis=1)


def _gat(x, amask, wg, asr, ads, bg, Bblk, N, H):
    h1 = jnp.dot(x.reshape(Bblk * N, H), wg,
                 preferred_element_type=jnp.float32).reshape(Bblk, N, H)
    d = (h1 * ads).sum(axis=-1, keepdims=True)
    s = (h1 * asr).sum(axis=-1, keepdims=True)
    e = d + jnp.swapaxes(s, 1, 2)
    e = jnp.where(e >= 0, e, 0.2 * e)
    e = e + amask
    emax = e.max(axis=-1, keepdims=True)
    ex = jnp.exp(e - emax)
    den = ex.sum(axis=-1, keepdims=True)
    alpha = ex / jnp.maximum(den, 1e-16)
    out = jax.lax.dot_general(
        alpha, h1, (((2,), (1,)), ((0,), (0,))),
        preferred_element_type=jnp.float32) + bg
    return jnp.where(out > 0, out, jnp.exp(jnp.minimum(out, 0.0)) - 1.0)


def _dec_body(Bblk, N, H,
              r_ref, ss_ref, amask_ref,
              w1g_ref, a1s_ref, a1d_ref, b1g_ref,
              w2g_ref, a2s_ref, a2d_ref, b2g_ref,
              wih_ref, whh_ref, bias_ref,
              l_ref, h_ref, c_ref):
    t = pl.program_id(1)

    @pl.when(t == 0)
    def _init():
        h_ref[...] = jnp.zeros_like(h_ref)
        c_ref[...] = jnp.zeros_like(c_ref)

    ss = ss_ref[...]
    scale = ss[0, 0, :]
    shift = ss[0, 1, :]
    x = r_ref[...].reshape(Bblk, N, H) * scale + shift
    amask = amask_ref[...]
    x = _gat(x, amask, w1g_ref[...], a1s_ref[...], a1d_ref[...], b1g_ref[...],
             Bblk, N, H)
    x = _gat(x, amask, w2g_ref[...], a2s_ref[...], a2d_ref[...], b2g_ref[...],
             Bblk, N, H)
    h2, c2 = _lstm_step(x.reshape(Bblk * N, H), h_ref[...], c_ref[...],
                        wih_ref[...], whh_ref[...], bias_ref[...])
    h_ref[...] = h2
    c_ref[...] = c2
    l_ref[...] = h2.reshape(Bblk, 1, N, H)


def kernel(feat, edge_index, params):
    p = params
    B, T, M, K, _ = feat.shape
    KR = K + 1
    N = M * KR
    EMB = p['phi_w2'].shape[0]
    H = p['Whh_s'].shape[1]
    Bblk = 32
    G = B // Bblk
    f32 = jnp.float32

    w1t = p['phi_w1'].T
    b1 = p['phi_b1'][None, :]
    w2t = p['phi_w2'].T
    b2 = p['phi_b2'][None, :]
    wih_s = p['Wih_s'].T
    whh_s = p['Whh_s'].T
    bias_s = (p['bih_s'] + p['bhh_s'])[None, :]
    wih_t = p['Wih_t'].T
    whh_t = p['Whh_t'].T
    bias_t = (p['bih_t'] + p['bhh_t'])[None, :]
    w1g = p['g1_W'].T
    a1s = p['g1_asrc'][None, :]
    a1d = p['g1_adst'][None, :]
    b1g = p['g1_b'][None, :]
    w2g = p['g2_W'].T
    a2s = p['g2_asrc'][None, :]
    a2d = p['g2_adst'][None, :]
    b2g = p['g2_b'][None, :]
    src = edge_index[0]
    dst = edge_index[1]
    adj = jnp.zeros((N, N), f32).at[dst, src].add(1.0)
    amask = (1.0 - jnp.minimum(adj, 1.0)) * NEG_BIG

    const = lambda shape: pl.BlockSpec(shape, lambda i, t: tuple(0 for _ in shape))

    r, part = pl.pallas_call(
        functools.partial(_enc_body, Bblk, M, K, N, EMB, H),
        grid=(G, T),
        in_specs=[
            pl.BlockSpec((Bblk, 1, M, K, 3), lambda i, t: (i, t, 0, 0, 0)),
            const((3, EMB)), const((1, EMB)),
            const((EMB, EMB)), const((1, EMB)),
            const((EMB, 4 * H)), const((H, 4 * H)), const((1, 4 * H)),
        ],
        out_specs=[
            pl.BlockSpec((Bblk, 1, N, H), lambda i, t: (i, t, 0, 0)),
            pl.BlockSpec((1, 1, 2, H), lambda i, t: (i, t, 0, 0)),
        ],
        out_shape=[
            jax.ShapeDtypeStruct((B, T, N, H), f32),
            jax.ShapeDtypeStruct((G, T, 2, H), f32),
        ],
        scratch_shapes=[pltpu.VMEM((Bblk * N, H), f32),
                        pltpu.VMEM((Bblk * N, H), f32)],
        compiler_params=pltpu.CompilerParams(
            dimension_semantics=("parallel", "arbitrary")),
    )(feat, w1t, b1, w2t, b2, wih_s, whh_s, bias_s)

    ss = pl.pallas_call(
        functools.partial(_bn_body, float(B * N)),
        out_shape=jax.ShapeDtypeStruct((T, 2, H), f32),
    )(p['bn_gamma'][None, :], p['bn_beta'][None, :], part)

    l = pl.pallas_call(
        functools.partial(_dec_body, Bblk, N, H),
        grid=(G, T),
        in_specs=[
            pl.BlockSpec((Bblk, 1, N, H), lambda i, t: (i, t, 0, 0)),
            pl.BlockSpec((1, 2, H), lambda i, t: (t, 0, 0)),
            const((N, N)),
            const((H, H)), const((1, H)), const((1, H)), const((1, H)),
            const((H, H)), const((1, H)), const((1, H)), const((1, H)),
            const((H, 4 * H)), const((H, 4 * H)), const((1, 4 * H)),
        ],
        out_specs=pl.BlockSpec((Bblk, 1, N, H), lambda i, t: (i, t, 0, 0)),
        out_shape=jax.ShapeDtypeStruct((B, T, N, H), f32),
        scratch_shapes=[pltpu.VMEM((Bblk * N, H), f32),
                        pltpu.VMEM((Bblk * N, H), f32)],
        compiler_params=pltpu.CompilerParams(
            dimension_semantics=("parallel", "arbitrary")),
    )(r, ss, amask,
      w1g, a1s, a1d, b1g, w2g, a2s, a2d, b2g,
      wih_t, whh_t, bias_t)

    h = jnp.concatenate([r, l], axis=-1)
    return (r, h)

# --- scband reference (transcript-rebuilt; emitter-appended) ---
"""Pipeline reference for scband-lstm-gat-32126355374735 (READ-ONLY COPY).

The authoritative reference and input builder live on the scoring server;
editing this copy changes nothing except your own understanding.
"""

import jax, jax.numpy as jnp
import numpy as np

HID = 32
EMB = 16


def build_edge_index(M, K):
    edges = []
    for m in range(M):
        base = m * K
        root = base + K - 1
        for kp in range(K - 1):
            edges.append((base + kp, root))
            edges.append((root, base + kp))
    roots = [m * K + K - 1 for m in range(M)]
    for i in range(len(roots)):
        for j in range(i + 1, len(roots)):
            edges.append((roots[i], roots[j]))
            edges.append((roots[j], roots[i]))
    return jnp.asarray(np.array(edges, dtype=np.int32).T)


def setup_inputs(seed: int = 0) -> dict:
    key = jax.random.key(seed)
    ks = jax.random.split(key, 16)
    B, T, M, K = 64, 128, 8, 5
    feat = jax.random.normal(ks[0], (B, T, M, K, 3), dtype=jnp.float32)

    def lin(k, o, i):
        return (jax.random.normal(k, (o, i), dtype=jnp.float32) / np.sqrt(i)).astype(jnp.float32)

    params = {
        'phi_w1': lin(ks[1], EMB, 3), 'phi_b1': jnp.zeros((EMB,), jnp.float32),
        'phi_w2': lin(ks[2], EMB, EMB), 'phi_b2': jnp.zeros((EMB,), jnp.float32),
        'Wih_s': lin(ks[3], 4 * HID, EMB), 'Whh_s': lin(ks[4], 4 * HID, HID),
        'bih_s': jnp.zeros((4 * HID,), jnp.float32), 'bhh_s': jnp.zeros((4 * HID,), jnp.float32),
        'bn_gamma': jnp.ones((HID,), jnp.float32), 'bn_beta': jnp.zeros((HID,), jnp.float32),
        'g1_W': lin(ks[5], HID, HID),
        'g1_asrc': 0.1 * jax.random.normal(ks[6], (HID,), dtype=jnp.float32),
        'g1_adst': 0.1 * jax.random.normal(ks[7], (HID,), dtype=jnp.float32),
        'g1_b': jnp.zeros((HID,), jnp.float32),
        'g2_W': lin(ks[8], HID, HID),
        'g2_asrc': 0.1 * jax.random.normal(ks[9], (HID,), dtype=jnp.float32),
        'g2_adst': 0.1 * jax.random.normal(ks[10], (HID,), dtype=jnp.float32),
        'g2_b': jnp.zeros((HID,), jnp.float32),
        'Wih_t': lin(ks[11], 4 * HID, HID), 'Whh_t': lin(ks[12], 4 * HID, HID),
        'bih_t': jnp.zeros((4 * HID,), jnp.float32), 'bhh_t': jnp.zeros((4 * HID,), jnp.float32),
    }
    edge_index = build_edge_index(M, K + 1)
    return {'feat': feat, 'edge_index': edge_index, 'params': params}


def add_virtual_root(feat):
    xy = feat[..., :2]
    vis = feat[..., 2] > 0.5
    w = vis[..., None].astype(jnp.float32)
    denom = jnp.maximum(w.sum(axis=3, keepdims=True), 1.0)
    root_xy = (xy * w).sum(axis=3, keepdims=True) / denom
    root_vis = jnp.any(vis, axis=3, keepdims=True).astype(jnp.float32)[..., None]
    root_feat = jnp.concatenate([root_xy, root_vis], axis=-1)
    return jnp.concatenate([feat, root_feat], axis=3)


def lstm(x, Wih, Whh, bih, bhh):
    # x: (T, B, in) ; PyTorch gate order i, f, g, o
    H = Whh.shape[1]
    Bn = x.shape[1]

    def step(carry, xt):
        h, c = carry
        g = xt @ Wih.T + h @ Whh.T + bih + bhh
        i, f, gg, o = jnp.split(g, 4, axis=-1)
        c2 = jax.nn.sigmoid(f) * c + jax.nn.sigmoid(i) * jnp.tanh(gg)
        h2 = jax.nn.sigmoid(o) * jnp.tanh(c2)
        return (h2, c2), h2

    init = (jnp.zeros((Bn, H), x.dtype), jnp.zeros((Bn, H), x.dtype))
    _, hs = jax.lax.scan(step, init, x)
    return hs


def gat_layer(x, edge_index, W, a_src, a_dst, b):
    # x: (BB, N, Hin); single-head GAT with edge softmax over incoming edges, ELU output
    N = x.shape[1]
    h = x @ W.T
    src = edge_index[0]
    dst = edge_index[1]
    hs = h[:, src, :]
    hd = h[:, dst, :]
    e = jax.nn.leaky_relu(hs @ a_src + hd @ a_dst, negative_slope=0.2)  # (BB, E)
    et = e.T  # (E, BB)
    emax = jax.ops.segment_max(et, dst, num_segments=N)
    ex = jnp.exp(et - emax[dst])
    den = jax.ops.segment_sum(ex, dst, num_segments=N)
    alpha = ex / jnp.maximum(den[dst], 1e-16)
    msg = jnp.transpose(hs, (1, 0, 2)) * alpha[:, :, None]  # (E, BB, H)
    out = jax.ops.segment_sum(msg, dst, num_segments=N)  # (N, BB, H)
    out = jnp.transpose(out, (1, 0, 2)) + b
    return jax.nn.elu(out)


def reference(feat, edge_index, params):
    p = params
    B, T, M, K, C = feat.shape
    featR = add_virtual_root(feat)
    KR = K + 1
    N = M * KR
    v = jax.nn.relu(featR @ p['phi_w1'].T + p['phi_b1']) @ p['phi_w2'].T + p['phi_b2']
    v = v.reshape(B, T, N, EMB)
    v_lstm = jnp.transpose(v, (1, 0, 2, 3)).reshape(T, B * N, EMB)
    r_lstm = lstm(v_lstm, p['Wih_s'], p['Whh_s'], p['bih_s'], p['bhh_s'])
    H = r_lstm.shape[-1]
    r = jnp.transpose(r_lstm.reshape(T, B, N, H), (1, 0, 2, 3))  # (B,T,N,H)
    # BatchNorm1d (training-mode batch stats) applied per timestep over B*N samples
    mean = r.mean(axis=(0, 2), keepdims=True)
    var = ((r - mean) ** 2).mean(axis=(0, 2), keepdims=True)
    xbn = (r - mean) / jnp.sqrt(var + 1e-5) * p['bn_gamma'] + p['bn_beta']
    x = xbn.reshape(B * T, N, H)
    x = gat_layer(x, edge_index, p['g1_W'], p['g1_asrc'], p['g1_adst'], p['g1_b'])
    x = gat_layer(x, edge_index, p['g2_W'], p['g2_asrc'], p['g2_adst'], p['g2_b'])
    rhat = x.reshape(B, T, N, H)
    temp_in = jnp.transpose(rhat, (1, 0, 2, 3)).reshape(T, B * N, H)
    l_lstm = lstm(temp_in, p['Wih_t'], p['Whh_t'], p['bih_t'], p['bhh_t'])
    l = jnp.transpose(l_lstm.reshape(T, B, N, H), (1, 0, 2, 3))
    h = jnp.concatenate([r, l], axis=-1)
    return (r, h)

if __name__ == "__main__":
    import jax
    _d = setup_inputs()
    print(jax.jit(kernel)(*tuple(_d.values())))

</pallas_src>

<mosaic_0001>
module attributes {stable_mosaic.version = 14 : i64} {
  func.func @_bn_body(%arg0: memref<1x32xf32, #tpu.memory_space<vmem>>, %arg1: memref<1x32xf32, #tpu.memory_space<vmem>>, %arg2: memref<2x128x2x32xf32, #tpu.memory_space<vmem>>, %arg3: memref<128x2x32xf32, #tpu.memory_space<vmem>>) attributes {dimension_semantics = [], scalar_prefetch = 0 : i64, scratch_operands = 0 : i64, tpu.core_type = #tpu.core_type<tc>} {
    %get3A = arith.constant 0 : index
    %get3A_0 = arith.constant 0 : index
    %get3A_1 = arith.constant 0 : index
    %get3A_2 = arith.constant 0 : index
    %get3A_3 = vector.load %arg2[%get3A, %get3A_0, %get3A_1, %get3A_2] : memref<2x128x2x32xf32, #tpu.memory_space<vmem>>, vector<2x128x2x32xf32>
    %reduce_sum3A = arith.constant dense<0.000000e+00> : vector<128x2x32xf32>
    %reduce_sum3A_4 = vector.multi_reduction <add>, %get3A_3, %reduce_sum3A [0] : vector<2x128x2x32xf32> to vector<128x2x32xf32>
    %slice3A = vector.extract_strided_slice %reduce_sum3A_4 {offsets = [0, 0, 0], sizes = [128, 1, 32], strides = [1, 1, 1]} : vector<128x2x32xf32> to vector<128x1x32xf32>
    %squeeze3A = vector.shape_cast %slice3A : vector<128x1x32xf32> to vector<128x32xf32>
    %div3A = arith.constant 3.072000e+03 : f32
    %div3A_5 = vector.broadcast %div3A : f32 to vector<128x32xf32>
    %div3A_6 = arith.divf %squeeze3A, %div3A_5 : vector<128x32xf32>
    %slice3A_7 = vector.extract_strided_slice %reduce_sum3A_4 {offsets = [0, 1, 0], sizes = [128, 1, 32], strides = [1, 1, 1]} : vector<128x2x32xf32> to vector<128x1x32xf32>
    %squeeze3A_8 = vector.shape_cast %slice3A_7 : vector<128x1x32xf32> to vector<128x32xf32>
    %div3A_9 = arith.constant 3.072000e+03 : f32
    %div3A_10 = vector.broadcast %div3A_9 : f32 to vector<128x32xf32>
    %div3A_11 = arith.divf %squeeze3A_8, %div3A_10 : vector<128x32xf32>
    %mul3A = arith.mulf %div3A_6, %div3A_6 : vector<128x32xf32>
    %sub3A = arith.subf %div3A_11, %mul3A : vector<128x32xf32>
    %add3A = arith.constant 9.99999974E-6 : f32
    %add3A_12 = vector.broadcast %add3A : f32 to vector<128x32xf32>
    %add3A_13 = arith.addf %sub3A, %add3A_12 : vector<128x32xf32>
    %rsqrt3A = math.rsqrt %add3A_13 : vector<128x32xf32>
    %get3A_14 = arith.constant 0 : index
    %get3A_15 = arith.constant 0 : index
    %get3A_16 = vector.load %arg0[%get3A_14, %get3A_15] : memref<1x32xf32, #tpu.memory_space<vmem>>, vector<1x32xf32>
    %mul3A_17 = vector.broadcast %get3A_16 : vector<1x32xf32> to vector<128x32xf32>
    %mul3A_18 = arith.mulf %mul3A_17, %rsqrt3A : vector<128x32xf32>
    %get3A_19 = arith.constant 0 : index
    %get3A_20 = arith.constant 0 : index
    %get3A_21 = vector.load %arg1[%get3A_19, %get3A_20] : memref<1x32xf32, #tpu.memory_space<vmem>>, vector<1x32xf32>
    %mul3A_22 = arith.mulf %div3A_6, %mul3A_18 : vector<128x32xf32>
    %sub3A_23 = vector.broadcast %get3A_21 : vector<1x32xf32> to vector<128x32xf32>
    %sub3A_24 = arith.subf %sub3A_23, %mul3A_22 : vector<128x32xf32>
    %stack3A = vector.shape_cast %mul3A_18 : vector<128x32xf32> to vector<128x1x32xf32>
    %stack3A_25 = vector.shape_cast %sub3A_24 : vector<128x32xf32> to vector<128x1x32xf32>
    %stack3A_26 = tpu.concatenate %stack3A, %stack3A_25 in 1 : vector<128x1x32xf32>, vector<128x1x32xf32> -> vector<128x2x32xf32>
    %swap3A = arith.constant 0 : index
    %swap3A_27 = arith.constant 0 : index
    %swap3A_28 = arith.constant 0 : index
    %swap3A_29 = vector.load %arg3[%swap3A, %swap3A_27, %swap3A_28] : memref<128x2x32xf32, #tpu.memory_space<vmem>>, vector<128x2x32xf32>
    tpu.vector_store %arg3[%swap3A, %swap3A_27, %swap3A_28], %stack3A_26 {strides = array<i32>} : memref<128x2x32xf32, #tpu.memory_space<vmem>>, vector<128x2x32xf32>,
    return
  }
}

module attributes {stable_mosaic.version = 14 : i64} {
  func.func @_enc_body(%arg0: i32, %arg1: i32, %arg2: memref<32x1x8x5x3xf32, #tpu.memory_space<vmem>>, %arg3: memref<3x16xf32, #tpu.memory_space<vmem>>, %arg4: memref<1x16xf32, #tpu.memory_space<vmem>>, %arg5: memref<16x16xf32, #tpu.memory_space<vmem>>, %arg6: memref<1x16xf32, #tpu.memory_space<vmem>>, %arg7: memref<16x128xf32, #tpu.memory_space<vmem>>, %arg8: memref<32x128xf32, #tpu.memory_space<vmem>>, %arg9: memref<1x128xf32, #tpu.memory_space<vmem>>, %arg10: memref<32x1x48x32xf32, #tpu.memory_space<vmem>>, %arg11: memref<1x1x2x32xf32, #tpu.memory_space<vmem>>, %arg12: memref<1536x32xf32, #tpu.memory_space<vmem>>, %arg13: memref<1536x32xf32, #tpu.memory_space<vmem>>) attributes {dimension_semantics = [#tpu.dimension_semantics<parallel>, #tpu.dimension_semantics<arbitrary>], iteration_bounds = array<i64: 2, 128>, scalar_prefetch = 0 : i64, scratch_operands = 2 : i64, tpu.core_type = #tpu.core_type<tc>, window_params = [{transform_indices = @transform_0, window_bounds = array<i64: 32, 1, 8, 5, 3>}, {pipeline_mode = #tpu.pipeline_mode<synchronous>, transform_indices = @transform_1, window_bounds = array<i64: 3, 16>}, {pipeline_mode = #tpu.pipeline_mode<synchronous>, transform_indices = @transform_2, window_bounds = array<i64: 1, 16>}, {pipeline_mode = #tpu.pipeline_mode<synchronous>, transform_indices = @transform_3, window_bounds = array<i64: 16, 16>}, {pipeline_mode = #tpu.pipeline_mode<synchronous>, transform_indices = @transform_4, window_bounds = array<i64: 1, 16>}, {pipeline_mode = #tpu.pipeline_mode<synchronous>, transform_indices = @transform_5, window_bounds = array<i64: 16, 128>}, {pipeline_mode = #tpu.pipeline_mode<synchronous>, transform_indices = @transform_6, window_bounds = array<i64: 32, 128>}, {pipeline_mode = #tpu.pipeline_mode<synchronous>, transform_indices = @transform_7, window_bounds = array<i64: 1, 128>}, {transform_indices = @transform_8, window_bounds = array<i64: 32, 1, 48, 32>}, {transform_indices = @transform_9, window_bounds = array<i64: 1, 1, 2, 32>}]} {
    %eq3A = arith.constant 0 : i32
    %eq3A_0 = arith.cmpi eq, %arg1, %eq3A : i32
    %convert_element_type3A = arith.extui %eq3A_0 : i1 to i32
    %cond3A = arith.constant 0 : i32
    %cond3A_1 = arith.cmpi ne, %convert_element_type3A, %cond3A : i32
    scf.if %cond3A_1 {
      %broadcast_in_dim3A_128 = arith.constant 0.000000e+00 : f32
      %broadcast_in_dim3A_129 = vector.broadcast %broadcast_in_dim3A_128 : f32 to vector<1536x32xf32>
      %swap3A_130 = arith.constant 0 : index
      %swap3A_131 = arith.constant 0 : index
      %swap3A_132 = vector.load %arg12[%swap3A_130, %swap3A_131] : memref<1536x32xf32, #tpu.memory_space<vmem>>, vector<1536x32xf32>
      tpu.vector_store %arg12[%swap3A_130, %swap3A_131], %broadcast_in_dim3A_129 {strides = array<i32>} : memref<1536x32xf32, #tpu.memory_space<vmem>>, vector<1536x32xf32>,
      %broadcast_in_dim3A_133 = arith.constant 0.000000e+00 : f32
      %broadcast_in_dim3A_134 = vector.broadcast %broadcast_in_dim3A_133 : f32 to vector<1536x32xf32>
      %swap3A_135 = arith.constant 0 : index
      %swap3A_136 = arith.constant 0 : index
      %swap3A_137 = vector.load %arg13[%swap3A_135, %swap3A_136] : memref<1536x32xf32, #tpu.memory_space<vmem>>, vector<1536x32xf32>
      tpu.vector_store %arg13[%swap3A_135, %swap3A_136], %broadcast_in_dim3A_134 {strides = array<i32>} : memref<1536x32xf32, #tpu.memory_space<vmem>>, vector<1536x32xf32>,
    } else {
    }
    %get3A = arith.constant 0 : index
    %get3A_2 = arith.constant 0 : index
    %get3A_3 = arith.constant 0 : index
    %get3A_4 = arith.constant 0 : index
    %get3A_5 = arith.constant 0 : index
    %get3A_6 = vector.load %arg2[%get3A, %get3A_2, %get3A_3, %get3A_4, %get3A_5] : memref<32x1x8x5x3xf32, #tpu.memory_space<vmem>>, vector<32x1x8x5x3xf32>
    %reshape3A = vector.shape_cast %get3A_6 : vector<32x1x8x5x3xf32> to vector<32x8x5x3xf32>
    %slice3A = vector.extract_strided_slice %reshape3A {offsets = [0, 0, 0, 2], sizes = [32, 8, 5, 1], strides = [1, 1, 1, 1]} : vector<32x8x5x3xf32> to vector<32x8x5x1xf32>
    %squeeze3A = vector.shape_cast %slice3A : vector<32x8x5x1xf32> to vector<32x8x5xf32>
    %gt3A = arith.constant 5.000000e-01 : f32
    %gt3A_7 = vector.broadcast %gt3A : f32 to vector<32x8x5xf32>
    %gt3A_8 = arith.cmpf ogt, %squeeze3A, %gt3A_7 : vector<32x8x5xf32>
    %convert_element_type3A_9 = arith.extui %gt3A_8 : vector<32x8x5xi1> to vector<32x8x5xi32>
    %convert_element_type3A_10 = arith.sitofp %convert_element_type3A_9 : vector<32x8x5xi32> to vector<32x8x5xf32>
    %reduce_sum3A = arith.constant dense<0.000000e+00> : vector<32x8xf32>
    %reduce_sum3A_11 = vector.multi_reduction <add>, %convert_element_type3A_10, %reduce_sum3A [2] : vector<32x8x5xf32> to vector<32x8xf32>
    %max3A = arith.constant 1.000000e+00 : f32
    %max3A_12 = vector.broadcast %max3A : f32 to vector<32x8xf32>
    %max3A_13 = arith.maximumf %reduce_sum3A_11, %max3A_12 : vector<32x8xf32>
    %slice3A_14 = vector.extract_strided_slice %reshape3A {offsets = [0, 0, 0, 0], sizes = [32, 8, 5, 1], strides = [1, 1, 1, 1]} : vector<32x8x5x3xf32> to vector<32x8x5x1xf32>
    %squeeze3A_15 = vector.shape_cast %slice3A_14 : vector<32x8x5x1xf32> to vector<32x8x5xf32>
    %mul3A = arith.mulf %squeeze3A_15, %convert_element_type3A_10 : vector<32x8x5xf32>
    %reduce_sum3A_16 = arith.constant dense<0.000000e+00> : vector<32x8xf32>
    %reduce_sum3A_17 = vector.multi_reduction <add>, %mul3A, %reduce_sum3A_16 [2] : vector<32x8x5xf32> to vector<32x8xf32>
    %div3A = arith.divf %reduce_sum3A_17, %max3A_13 : vector<32x8xf32>
    %slice3A_18 = vector.extract_strided_slice %reshape3A {offsets = [0, 0, 0, 1], sizes = [32, 8, 5, 1], strides = [1, 1, 1, 1]} : vector<32x8x5x3xf32> to vector<32x8x5x1xf32>
    %squeeze3A_19 = vector.shape_cast %slice3A_18 : vector<32x8x5x1xf32> to vector<32x8x5xf32>
    %mul3A_20 = arith.mulf %squeeze3A_19, %convert_element_type3A_10 : vector<32x8x5xf32>
    %reduce_sum3A_21 = arith.constant dense<0.000000e+00> : vector<32x8xf32>
    %reduce_sum3A_22 = vector.multi_reduction <add>, %mul3A_20, %reduce_sum3A_21 [2] : vector<32x8x5xf32> to vector<32x8xf32>
    %div3A_23 = arith.divf %reduce_sum3A_22, %max3A_13 : vector<32x8xf32>
    %reduce_max3A = arith.constant dense<0xFF800000> : vector<32x8xf32>
    %reduce_max3A_24 = vector.multi_reduction <maximumf>, %squeeze3A, %reduce_max3A [2] : vector<32x8x5xf32> to vector<32x8xf32>
    %gt3A_25 = arith.constant 5.000000e-01 : f32
    %gt3A_26 = vector.broadcast %gt3A_25 : f32 to vector<32x8xf32>
    %gt3A_27 = arith.cmpf ogt, %reduce_max3A_24, %gt3A_26 : vector<32x8xf32>
    %convert_element_type3A_28 = arith.extui %gt3A_27 : vector<32x8xi1> to vector<32x8xi32>
    %convert_element_type3A_29 = arith.sitofp %convert_element_type3A_28 : vector<32x8xi32> to vector<32x8xf32>
    %stack3A = vector.shape_cast %div3A : vector<32x8xf32> to vector<32x8x1xf32>
    %stack3A_30 = vector.shape_cast %div3A_23 : vector<32x8xf32> to vector<32x8x1xf32>
    %stack3A_31 = vector.shape_cast %convert_element_type3A_29 : vector<32x8xf32> to vector<32x8x1xf32>
    %stack3A_32 = tpu.concatenate %stack3A, %stack3A_30, %stack3A_31 in 2 : vector<32x8x1xf32>, vector<32x8x1xf32>, vector<32x8x1xf32> -> vector<32x8x3xf32>
    %broadcast_in_dim3A = vector.shape_cast %stack3A_32 : vector<32x8x3xf32> to vector<32x8x1x3xf32>
    %concatenate3A = tpu.concatenate %reshape3A, %broadcast_in_dim3A in 2 : vector<32x8x5x3xf32>, vector<32x8x1x3xf32> -> vector<32x8x6x3xf32>
    %reshape3A_33 = vector.shape_cast %concatenate3A : vector<32x8x6x3xf32> to vector<1536x3xf32>
    %get3A_34 = arith.constant 0 : index
    %get3A_35 = arith.constant 0 : index
    %get3A_36 = vector.load %arg3[%get3A_34, %get3A_35] : memref<3x16xf32, #tpu.memory_space<vmem>>, vector<3x16xf32>
    %dot_general3A = arith.constant dense<0.000000e+00> : vector<1536x16xf32>
    %dot_general3A_37 = tpu.matmul %reshape3A_33, %get3A_36, %dot_general3A {dimension_numbers = #tpu.dot_dimension_numbers<[1], [0], [0], [1], [0, 0, 1, 1], [], []>, transpose_lhs_hint = false} : vector<1536x3xf32>, vector<3x16xf32>, vector<1536x16xf32> -> vector<1536x16xf32>
    %get3A_38 = arith.constant 0 : index
    %get3A_39 = arith.constant 0 : index
    %get3A_40 = vector.load %arg4[%get3A_38, %get3A_39] : memref<1x16xf32, #tpu.memory_space<vmem>>, vector<1x16xf32>
    %add3A = vector.broadcast %get3A_40 : vector<1x16xf32> to vector<1536x16xf32>
    %add3A_41 = arith.addf %dot_general3A_37, %add3A : vector<1536x16xf32>
    %max3A_42 = arith.constant 0.000000e+00 : f32
    %max3A_43 = vector.broadcast %max3A_42 : f32 to vector<1536x16xf32>
    %max3A_44 = arith.maximumf %add3A_41, %max3A_43 : vector<1536x16xf32>
    %get3A_45 = arith.constant 0 : index
    %get3A_46 = arith.constant 0 : index
    %get3A_47 = vector.load %arg5[%get3A_45, %get3A_46] : memref<16x16xf32, #tpu.memory_space<vmem>>, vector<16x16xf32>
    %dot_general3A_48 = arith.constant dense<0.000000e+00> : vector<1536x16xf32>
    %dot_general3A_49 = tpu.matmul %max3A_44, %get3A_47, %dot_general3A_48 {dimension_numbers = #tpu.dot_dimension_numbers<[1], [0], [0], [1], [0, 0, 1, 1], [], []>, transpose_lhs_hint = false} : vector<1536x16xf32>, vector<16x16xf32>, vector<1536x16xf32> -> vector<1536x16xf32>
    %get3A_50 = arith.constant 0 : index
    %get3A_51 = arith.constant 0 : index
    %get3A_52 = vector.load %arg6[%get3A_50, %get3A_51] : memref<1x16xf32, #tpu.memory_space<vmem>>, vector<1x16xf32>
    %add3A_53 = vector.broadcast %get3A_52 : vector<1x16xf32> to vector<1536x16xf32>
    %add3A_54 = arith.addf %dot_general3A_49, %add3A_53 : vector<1536x16xf32>
    %get3A_55 = arith.constant 0 : index
    %get3A_56 = arith.constant 0 : index
    %get3A_57 = vector.load %arg12[%get3A_55, %get3A_56] : memref<1536x32xf32, #tpu.memory_space<vmem>>, vector<1536x32xf32>
    %get3A_58 = arith.constant 0 : index
    %get3A_59 = arith.constant 0 : index
    %get3A_60 = vector.load %arg13[%get3A_58, %get3A_59] : memref<1536x32xf32, #tpu.memory_space<vmem>>, vector<1536x32xf32>
    %get3A_61 = arith.constant 0 : index
    %get3A_62 = arith.constant 0 : index
    %get3A_63 = vector.load %arg7[%get3A_61, %get3A_62] : memref<16x128xf32, #tpu.memory_space<vmem>>, vector<16x128xf32>
    %get3A_64 = arith.constant 0 : index
    %get3A_65 = arith.constant 0 : index
    %get3A_66 = vector.load %arg8[%get3A_64, %get3A_65] : memref<32x128xf32, #tpu.memory_space<vmem>>, vector<32x128xf32>
    %get3A_67 = arith.constant 0 : index
    %get3A_68 = arith.constant 0 : index
    %get3A_69 = vector.load %arg9[%get3A_67, %get3A_68] : memref<1x128xf32, #tpu.memory_space<vmem>>, vector<1x128xf32>
    %dot_general3A_70 = arith.constant dense<0.000000e+00> : vector<1536x128xf32>
    %dot_general3A_71 = tpu.matmul %add3A_54, %get3A_63, %dot_general3A_70 {dimension_numbers = #tpu.dot_dimension_numbers<[1], [0], [0], [1], [0, 0, 1, 1], [], []>, transpose_lhs_hint = false} : vector<1536x16xf32>, vector<16x128xf32>, vector<1536x128xf32> -> vector<1536x128xf32>
    %dot_general3A_72 = arith.constant dense<0.000000e+00> : vector<1536x128xf32>
    %dot_general3A_73 = tpu.matmul %get3A_57, %get3A_66, %dot_general3A_72 {dimension_numbers = #tpu.dot_dimension_numbers<[1], [0], [0], [1], [0, 0, 1, 1], [], []>, transpose_lhs_hint = false} : vector<1536x32xf32>, vector<32x128xf32>, vector<1536x128xf32> -> vector<1536x128xf32>
    %add3A_74 = arith.addf %dot_general3A_71, %dot_general3A_73 : vector<1536x128xf32>
    %add3A_75 = vector.broadcast %get3A_69 : vector<1x128xf32> to vector<1536x128xf32>
    %add3A_76 = arith.addf %add3A_74, %add3A_75 : vector<1536x128xf32>
    %slice3A_77 = vector.extract_strided_slice %add3A_76 {offsets = [0, 0], sizes = [1536, 32], strides = [1, 1]} : vector<1536x128xf32> to vector<1536x32xf32>
    %slice3A_78 = vector.extract_strided_slice %add3A_76 {offsets = [0, 32], sizes = [1536, 32], strides = [1, 1]} : vector<1536x128xf32> to vector<1536x32xf32>
    %slice3A_79 = vector.extract_strided_slice %add3A_76 {offsets = [0, 64], sizes = [1536, 32], strides = [1, 1]} : vector<1536x128xf32> to vector<1536x32xf32>
    %slice3A_80 = vector.extract_strided_slice %add3A_76 {offsets = [0, 96], sizes = [1536, 32], strides = [1, 1]} : vector<1536x128xf32> to vector<1536x32xf32>
    %logistic3A = arith.negf %slice3A_78 : vector<1536x32xf32>
    %logistic3A_81 = math.exp %logistic3A : vector<1536x32xf32>
    %logistic3A_82 = arith.constant 1.000000e+00 : f32
    %logistic3A_83 = vector.broadcast %logistic3A_82 : f32 to vector<1536x32xf32>
    %logistic3A_84 = arith.addf %logistic3A_83, %logistic3A_81 : vector<1536x32xf32>
    %logistic3A_85 = arith.divf %logistic3A_83, %logistic3A_84 : vector<1536x32xf32>
    %mul3A_86 = arith.mulf %logistic3A_85, %get3A_60 : vector<1536x32xf32>
    %logistic3A_87 = arith.negf %slice3A_77 : vector<1536x32xf32>
    %logistic3A_88 = math.exp %logistic3A_87 : vector<1536x32xf32>
    %logistic3A_89 = arith.constant 1.000000e+00 : f32
    %logistic3A_90 = vector.broadcast %logistic3A_89 : f32 to vector<1536x32xf32>
    %logistic3A_91 = arith.addf %logistic3A_90, %logistic3A_88 : vector<1536x32xf32>
    %logistic3A_92 = arith.divf %logistic3A_90, %logistic3A_91 : vector<1536x32xf32>
    %tanh3A = math.tanh %slice3A_79 : vector<1536x32xf32>
    %mul3A_93 = arith.mulf %logistic3A_92, %tanh3A : vector<1536x32xf32>
    %add3A_94 = arith.addf %mul3A_86, %mul3A_93 : vector<1536x32xf32>
    %logistic3A_95 = arith.negf %slice3A_80 : vector<1536x32xf32>
    %logistic3A_96 = math.exp %logistic3A_95 : vector<1536x32xf32>
    %logistic3A_97 = arith.constant 1.000000e+00 : f32
    %logistic3A_98 = vector.broadcast %logistic3A_97 : f32 to vector<1536x32xf32>
    %logistic3A_99 = arith.addf %logistic3A_98, %logistic3A_96 : vector<1536x32xf32>
    %logistic3A_100 = arith.divf %logistic3A_98, %logistic3A_99 : vector<1536x32xf32>
    %tanh3A_101 = math.tanh %add3A_94 : vector<1536x32xf32>
    %mul3A_102 = arith.mulf %logistic3A_100, %tanh3A_101 : vector<1536x32xf32>
    %swap3A = arith.constant 0 : index
    %swap3A_103 = arith.constant 0 : index
    %swap3A_104 = vector.load %arg12[%swap3A, %swap3A_103] : memref<1536x32xf32, #tpu.memory_space<vmem>>, vector<1536x32xf32>
    tpu.vector_store %arg12[%swap3A, %swap3A_103], %mul3A_102 {strides = array<i32>} : memref<1536x32xf32, #tpu.memory_space<vmem>>, vector<1536x32xf32>,
    %swap3A_105 = arith.constant 0 : index
    %swap3A_106 = arith.constant 0 : index
    %swap3A_107 = vector.load %arg13[%swap3A_105, %swap3A_106] : memref<1536x32xf32, #tpu.memory_space<vmem>>, vector<1536x32xf32>
    tpu.vector_store %arg13[%swap3A_105, %swap3A_106], %add3A_94 {strides = array<i32>} : memref<1536x32xf32, #tpu.memory_space<vmem>>, vector<1536x32xf32>,
    %reshape3A_108 = vector.shape_cast %mul3A_102 : vector<1536x32xf32> to vector<32x1x48x32xf32>
    %swap3A_109 = arith.constant 0 : index
    %swap3A_110 = arith.constant 0 : index
    %swap3A_111 = arith.constant 0 : index
    %swap3A_112 = arith.constant 0 : index
    %swap3A_113 = vector.load %arg10[%swap3A_109, %swap3A_110, %swap3A_111, %swap3A_112] : memref<32x1x48x32xf32, #tpu.memory_space<vmem>>, vector<32x1x48x32xf32>
    tpu.vector_store %arg10[%swap3A_109, %swap3A_110, %swap3A_111, %swap3A_112], %reshape3A_108 {strides = array<i32>} : memref<32x1x48x32xf32, #tpu.memory_space<vmem>>, vector<32x1x48x32xf32>,
    %reduce_sum3A_114 = arith.constant dense<0.000000e+00> : vector<32xf32>
    %reduce_sum3A_115 = vector.multi_reduction <add>, %mul3A_102, %reduce_sum3A_114 [0] : vector<1536x32xf32> to vector<32xf32>
    %broadcast_in_dim3A_116 = vector.shape_cast %reduce_sum3A_115 : vector<32xf32> to vector<1x32xf32>
    %mul3A_117 = arith.mulf %mul3A_102, %mul3A_102 : vector<1536x32xf32>
    %reduce_sum3A_118 = arith.constant dense<0.000000e+00> : vector<32xf32>
    %reduce_sum3A_119 = vector.multi_reduction <add>, %mul3A_117, %reduce_sum3A_118 [0] : vector<1536x32xf32> to vector<32xf32>
    %broadcast_in_dim3A_120 = vector.shape_cast %reduce_sum3A_119 : vector<32xf32> to vector<1x32xf32>
    %concatenate3A_121 = tpu.concatenate %broadcast_in_dim3A_116, %broadcast_in_dim3A_120 in 0 : vector<1x32xf32>, vector<1x32xf32> -> vector<2x32xf32>
    %reshape3A_122 = vector.shape_cast %concatenate3A_121 : vector<2x32xf32> to vector<1x1x2x32xf32>
    %swap3A_123 = arith.constant 0 : index
    %swap3A_124 = arith.constant 0 : index
    %swap3A_125 = arith.constant 0 : index
    %swap3A_126 = arith.constant 0 : index
    %swap3A_127 = vector.load %arg11[%swap3A_123, %swap3A_124, %swap3A_125, %swap3A_126] : memref<1x1x2x32xf32, #tpu.memory_space<vmem>>, vector<1x1x2x32xf32>
    tpu.vector_store %arg11[%swap3A_123, %swap3A_124, %swap3A_125, %swap3A_126], %reshape3A_122 {strides = array<i32>} : memref<1x1x2x32xf32, #tpu.memory_space<vmem>>, vector<1x1x2x32xf32>,
    return
  }
  func.func @transform_0(%arg0: i32, %arg1: i32) -> (i32, i32, i32, i32, i32) {
    %c0_i32 = arith.constant 0 : i32
    %c0_i32_0 = arith.constant 0 : i32
    %c0_i32_1 = arith.constant 0 : i32
    %c0_i32_2 = arith.constant 0 : i32
    return %arg0, %arg1, %c0_i32, %c0_i32_0, %c0_i32_1 : i32, i32, i32, i32, i32
  }
  func.func @transform_1(%arg0: i32, %arg1: i32) -> (i32, i32) {
    %c0_i32 = arith.constant 0 : i32
    %c0_i32_0 = arith.constant 0 : i32
    %c0_i32_1 = arith.constant 0 : i32
    return %c0_i32, %c0_i32_0 : i32, i32
  }
  func.func @transform_2(%arg0: i32, %arg1: i32) -> (i32, i32) {
    %c0_i32 = arith.constant 0 : i32
    %c0_i32_0 = arith.constant 0 : i32
    %c0_i32_1 = arith.constant 0 : i32
    return %c0_i32, %c0_i32_0 : i32, i32
  }
  func.func @transform_3(%arg0: i32, %arg1: i32) -> (i32, i32) {
    %c0_i32 = arith.constant 0 : i32
    %c0_i32_0 = arith.constant 0 : i32
    %c0_i32_1 = arith.constant 0 : i32
    return %c0_i32, %c0_i32_0 : i32, i32
  }
  func.func @transform_4(%arg0: i32, %arg1: i32) -> (i32, i32) {
    %c0_i32 = arith.constant 0 : i32
    %c0_i32_0 = arith.constant 0 : i32
    %c0_i32_1 = arith.constant 0 : i32
    return %c0_i32, %c0_i32_0 : i32, i32
  }
  func.func @transform_5(%arg0: i32, %arg1: i32) -> (i32, i32) {
    %c0_i32 = arith.constant 0 : i32
    %c0_i32_0 = arith.constant 0 : i32
    %c0_i32_1 = arith.constant 0 : i32
    return %c0_i32, %c0_i32_0 : i32, i32
  }
  func.func @transform_6(%arg0: i32, %arg1: i32) -> (i32, i32) {
    %c0_i32 = arith.constant 0 : i32
    %c0_i32_0 = arith.constant 0 : i32
    %c0_i32_1 = arith.constant 0 : i32
    return %c0_i32, %c0_i32_0 : i32, i32
  }
  func.func @transform_7(%arg0: i32, %arg1: i32) -> (i32, i32) {
    %c0_i32 = arith.constant 0 : i32
    %c0_i32_0 = arith.constant 0 : i32
    %c0_i32_1 = arith.constant 0 : i32
    return %c0_i32, %c0_i32_0 : i32, i32
  }
  func.func @transform_8(%arg0: i32, %arg1: i32) -> (i32, i32, i32, i32) {
    %c0_i32 = arith.constant 0 : i32
    %c0_i32_0 = arith.constant 0 : i32
    %c0_i32_1 = arith.constant 0 : i32
    return %arg0, %arg1, %c0_i32, %c0_i32_0 : i32, i32, i32, i32
  }
  func.func @transform_9(%arg0: i32, %arg1: i32) -> (i32, i32, i32, i32) {
    %c0_i32 = arith.constant 0 : i32
    %c0_i32_0 = arith.constant 0 : i32
    %c0_i32_1 = arith.constant 0 : i32
    return %arg0, %arg1, %c0_i32, %c0_i32_0 : i32, i32, i32, i32
  }
}

module attributes {stable_mosaic.version = 14 : i64} {
  func.func @_dec_body(%arg0: i32, %arg1: i32, %arg2: memref<32x1x48x32xf32, #tpu.memory_space<vmem>>, %arg3: memref<1x2x32xf32, #tpu.memory_space<vmem>>, %arg4: memref<48x48xf32, #tpu.memory_space<vmem>>, %arg5: memref<32x32xf32, #tpu.memory_space<vmem>>, %arg6: memref<1x32xf32, #tpu.memory_space<vmem>>, %arg7: memref<1x32xf32, #tpu.memory_space<vmem>>, %arg8: memref<1x32xf32, #tpu.memory_space<vmem>>, %arg9: memref<32x32xf32, #tpu.memory_space<vmem>>, %arg10: memref<1x32xf32, #tpu.memory_space<vmem>>, %arg11: memref<1x32xf32, #tpu.memory_space<vmem>>, %arg12: memref<1x32xf32, #tpu.memory_space<vmem>>, %arg13: memref<32x128xf32, #tpu.memory_space<vmem>>, %arg14: memref<32x128xf32, #tpu.memory_space<vmem>>, %arg15: memref<1x128xf32, #tpu.memory_space<vmem>>, %arg16: memref<32x1x48x32xf32, #tpu.memory_space<vmem>>, %arg17: memref<1536x32xf32, #tpu.memory_space<vmem>>, %arg18: memref<1536x32xf32, #tpu.memory_space<vmem>>) attributes {dimension_semantics = [#tpu.dimension_semantics<parallel>, #tpu.dimension_semantics<arbitrary>], iteration_bounds = array<i64: 2, 128>, scalar_prefetch = 0 : i64, scratch_operands = 2 : i64, tpu.core_type = #tpu.core_type<tc>, window_params = [{transform_indices = @transform_0, window_bounds = array<i64: 32, 1, 48, 32>}, {transform_indices = @transform_1, window_bounds = array<i64: 1, 2, 32>}, {pipeline_mode = #tpu.pipeline_mode<synchronous>, transform_indices = @transform_2, window_bounds = array<i64: 48, 48>}, {pipeline_mode = #tpu.pipeline_mode<synchronous>, transform_indices = @transform_3, window_bounds = array<i64: 32, 32>}, {pipeline_mode = #tpu.pipeline_mode<synchronous>, transform_indices = @transform_4, window_bounds = array<i64: 1, 32>}, {pipeline_mode = #tpu.pipeline_mode<synchronous>, transform_indices = @transform_5, window_bounds = array<i64: 1, 32>}, {pipeline_mode = #tpu.pipeline_mode<synchronous>, transform_indices = @transform_6, window_bounds = array<i64: 1, 32>}, {pipeline_mode = #tpu.pipeline_mode<synchronous>, transform_indices = @transform_7, window_bounds = array<i64: 32, 32>}, {pipeline_mode = #tpu.pipeline_mode<synchronous>, transform_indices = @transform_8, window_bounds = array<i64: 1, 32>}, {pipeline_mode = #tpu.pipeline_mode<synchronous>, transform_indices = @transform_9, window_bounds = array<i64: 1, 32>}, {pipeline_mode = #tpu.pipeline_mode<synchronous>, transform_indices = @transform_10, window_bounds = array<i64: 1, 32>}, {pipeline_mode = #tpu.pipeline_mode<synchronous>, transform_indices = @transform_11, window_bounds = array<i64: 32, 128>}, {pipeline_mode = #tpu.pipeline_mode<synchronous>, transform_indices = @transform_12, window_bounds = array<i64: 32, 128>}, {pipeline_mode = #tpu.pipeline_mode<synchronous>, transform_indices = @transform_13, window_bounds = array<i64: 1, 128>}, {transform_indices = @transform_14, window_bounds = array<i64: 32, 1, 48, 32>}]} {
    %eq3A = arith.constant 0 : i32
    %eq3A_0 = arith.cmpi eq, %arg1, %eq3A : i32
    %convert_element_type3A = arith.extui %eq3A_0 : i1 to i32
    %cond3A = arith.constant 0 : i32
    %cond3A_1 = arith.cmpi ne, %convert_element_type3A, %cond3A : i32
    scf.if %cond3A_1 {
      %broadcast_in_dim3A_210 = arith.constant 0.000000e+00 : f32
      %broadcast_in_dim3A_211 = vector.broadcast %broadcast_in_dim3A_210 : f32 to vector<1536x32xf32>
      %swap3A_212 = arith.constant 0 : index
      %swap3A_213 = arith.constant 0 : index
      %swap3A_214 = vector.load %arg17[%swap3A_212, %swap3A_213] : memref<1536x32xf32, #tpu.memory_space<vmem>>, vector<1536x32xf32>
      tpu.vector_store %arg17[%swap3A_212, %swap3A_213], %broadcast_in_dim3A_211 {strides = array<i32>} : memref<1536x32xf32, #tpu.memory_space<vmem>>, vector<1536x32xf32>,
      %broadcast_in_dim3A_215 = arith.constant 0.000000e+00 : f32
      %broadcast_in_dim3A_216 = vector.broadcast %broadcast_in_dim3A_215 : f32 to vector<1536x32xf32>
      %swap3A_217 = arith.constant 0 : index
      %swap3A_218 = arith.constant 0 : index
      %swap3A_219 = vector.load %arg18[%swap3A_217, %swap3A_218] : memref<1536x32xf32, #tpu.memory_space<vmem>>, vector<1536x32xf32>
      tpu.vector_store %arg18[%swap3A_217, %swap3A_218], %broadcast_in_dim3A_216 {strides = array<i32>} : memref<1536x32xf32, #tpu.memory_space<vmem>>, vector<1536x32xf32>,
    } else {
    }
    %get3A = arith.constant 0 : index
    %get3A_2 = arith.constant 0 : index
    %get3A_3 = arith.constant 0 : index
    %get3A_4 = vector.load %arg3[%get3A, %get3A_2, %get3A_3] : memref<1x2x32xf32, #tpu.memory_space<vmem>>, vector<1x2x32xf32>
    %slice3A = vector.extract_strided_slice %get3A_4 {offsets = [0, 0, 0], sizes = [1, 1, 32], strides = [1, 1, 1]} : vector<1x2x32xf32> to vector<1x1x32xf32>
    %squeeze3A = vector.shape_cast %slice3A : vector<1x1x32xf32> to vector<32xf32>
    %slice3A_5 = vector.extract_strided_slice %get3A_4 {offsets = [0, 1, 0], sizes = [1, 1, 32], strides = [1, 1, 1]} : vector<1x2x32xf32> to vector<1x1x32xf32>
    %squeeze3A_6 = vector.shape_cast %slice3A_5 : vector<1x1x32xf32> to vector<32xf32>
    %get3A_7 = arith.constant 0 : index
    %get3A_8 = arith.constant 0 : index
    %get3A_9 = arith.constant 0 : index
    %get3A_10 = arith.constant 0 : index
    %get3A_11 = vector.load %arg2[%get3A_7, %get3A_8, %get3A_9, %get3A_10] : memref<32x1x48x32xf32, #tpu.memory_space<vmem>>, vector<32x1x48x32xf32>
    %reshape3A = vector.shape_cast %get3A_11 : vector<32x1x48x32xf32> to vector<32x48x32xf32>
    %broadcast_in_dim3A = vector.shape_cast %squeeze3A : vector<32xf32> to vector<1x1x32xf32>
    %mul3A = vector.broadcast %broadcast_in_dim3A : vector<1x1x32xf32> to vector<32x48x32xf32>
    %mul3A_12 = arith.mulf %reshape3A, %mul3A : vector<32x48x32xf32>
    %broadcast_in_dim3A_13 = vector.shape_cast %squeeze3A_6 : vector<32xf32> to vector<1x1x32xf32>
    %add3A = vector.broadcast %broadcast_in_dim3A_13 : vector<1x1x32xf32> to vector<32x48x32xf32>
    %add3A_14 = arith.addf %mul3A_12, %add3A : vector<32x48x32xf32>
    %get3A_15 = arith.constant 0 : index
    %get3A_16 = arith.constant 0 : index
    %get3A_17 = vector.load %arg4[%get3A_15, %get3A_16] : memref<48x48xf32, #tpu.memory_space<vmem>>, vector<48x48xf32>
    %get3A_18 = arith.constant 0 : index
    %get3A_19 = arith.constant 0 : index
    %get3A_20 = vector.load %arg5[%get3A_18, %get3A_19] : memref<32x32xf32, #tpu.memory_space<vmem>>, vector<32x32xf32>
    %get3A_21 = arith.constant 0 : index
    %get3A_22 = arith.constant 0 : index
    %get3A_23 = vector.load %arg6[%get3A_21, %get3A_22] : memref<1x32xf32, #tpu.memory_space<vmem>>, vector<1x32xf32>
    %get3A_24 = arith.constant 0 : index
    %get3A_25 = arith.constant 0 : index
    %get3A_26 = vector.load %arg7[%get3A_24, %get3A_25] : memref<1x32xf32, #tpu.memory_space<vmem>>, vector<1x32xf32>
    %get3A_27 = arith.constant 0 : index
    %get3A_28 = arith.constant 0 : index
    %get3A_29 = vector.load %arg8[%get3A_27, %get3A_28] : memref<1x32xf32, #tpu.memory_space<vmem>>, vector<1x32xf32>
    %reshape3A_30 = vector.shape_cast %add3A_14 : vector<32x48x32xf32> to vector<1536x32xf32>
    %dot_general3A = arith.constant dense<0.000000e+00> : vector<1536x32xf32>
    %dot_general3A_31 = tpu.matmul %reshape3A_30, %get3A_20, %dot_general3A {dimension_numbers = #tpu.dot_dimension_numbers<[1], [0], [0], [1], [0, 0, 1, 1], [], []>, transpose_lhs_hint = false} : vector<1536x32xf32>, vector<32x32xf32>, vector<1536x32xf32> -> vector<1536x32xf32>
    %reshape3A_32 = vector.shape_cast %dot_general3A_31 : vector<1536x32xf32> to vector<32x48x32xf32>
    %broadcast_in_dim3A_33 = vector.shape_cast %get3A_26 : vector<1x32xf32> to vector<1x1x32xf32>
    %mul3A_34 = vector.broadcast %broadcast_in_dim3A_33 : vector<1x1x32xf32> to vector<32x48x32xf32>
    %mul3A_35 = arith.mulf %reshape3A_32, %mul3A_34 : vector<32x48x32xf32>
    %reduce_sum3A = arith.constant dense<0.000000e+00> : vector<32x48xf32>
    %reduce_sum3A_36 = vector.multi_reduction <add>, %mul3A_35, %reduce_sum3A [2] : vector<32x48x32xf32> to vector<32x48xf32>
    %broadcast_in_dim3A_37 = vector.shape_cast %reduce_sum3A_36 : vector<32x48xf32> to vector<32x48x1xf32>
    %broadcast_in_dim3A_38 = vector.shape_cast %get3A_23 : vector<1x32xf32> to vector<1x1x32xf32>
    %mul3A_39 = vector.broadcast %broadcast_in_dim3A_38 : vector<1x1x32xf32> to vector<32x48x32xf32>
    %mul3A_40 = arith.mulf %reshape3A_32, %mul3A_39 : vector<32x48x32xf32>
    %reduce_sum3A_41 = arith.constant dense<0.000000e+00> : vector<32x48xf32>
    %reduce_sum3A_42 = vector.multi_reduction <add>, %mul3A_40, %reduce_sum3A_41 [2] : vector<32x48x32xf32> to vector<32x48xf32>
    %broadcast_in_dim3A_43 = vector.shape_cast %reduce_sum3A_42 : vector<32x48xf32> to vector<32x48x1xf32>
    %transpose3A = tpu.transpose %broadcast_in_dim3A_43, [0, 2, 1] : vector<32x48x1xf32> -> vector<32x1x48xf32>
    %add3A_44 = vector.broadcast %broadcast_in_dim3A_37 : vector<32x48x1xf32> to vector<32x48x48xf32>
    %add3A_45 = vector.broadcast %transpose3A : vector<32x1x48xf32> to vector<32x48x48xf32>
    %add3A_46 = arith.addf %add3A_44, %add3A_45 : vector<32x48x48xf32>
    %ge3A = arith.constant 0.000000e+00 : f32
    %ge3A_47 = vector.broadcast %ge3A : f32 to vector<32x48x48xf32>
    %ge3A_48 = arith.cmpf oge, %add3A_46, %ge3A_47 : vector<32x48x48xf32>
    %mul3A_49 = arith.constant 2.000000e-01 : f32
    %mul3A_50 = vector.broadcast %mul3A_49 : f32 to vector<32x48x48xf32>
    %mul3A_51 = arith.mulf %mul3A_50, %add3A_46 : vector<32x48x48xf32>
    %select_n3A = arith.select %ge3A_48, %add3A_46, %mul3A_51 : vector<32x48x48xi1>, vector<32x48x48xf32>
    %broadcast_in_dim3A_52 = vector.shape_cast %get3A_17 : vector<48x48xf32> to vector<1x48x48xf32>
    %add3A_53 = vector.broadcast %broadcast_in_dim3A_52 : vector<1x48x48xf32> to vector<32x48x48xf32>
    %add3A_54 = arith.addf %select_n3A, %add3A_53 : vector<32x48x48xf32>
    %reduce_max3A = arith.constant dense<0xFF800000> : vector<32x48xf32>
    %reduce_max3A_55 = vector.multi_reduction <maximumf>, %add3A_54, %reduce_max3A [2] : vector<32x48x48xf32> to vector<32x48xf32>
    %broadcast_in_dim3A_56 = vector.shape_cast %reduce_max3A_55 : vector<32x48xf32> to vector<32x48x1xf32>
    %sub3A = vector.broadcast %broadcast_in_dim3A_56 : vector<32x48x1xf32> to vector<32x48x48xf32>
    %sub3A_57 = arith.subf %add3A_54, %sub3A : vector<32x48x48xf32>
    %exp3A = math.exp %sub3A_57 : vector<32x48x48xf32>
    %reduce_sum3A_58 = arith.constant dense<0.000000e+00> : vector<32x48xf32>
    %reduce_sum3A_59 = vector.multi_reduction <add>, %exp3A, %reduce_sum3A_58 [2] : vector<32x48x48xf32> to vector<32x48xf32>
    %broadcast_in_dim3A_60 = vector.shape_cast %reduce_sum3A_59 : vector<32x48xf32> to vector<32x48x1xf32>
    %max3A = arith.constant 1.000000e-16 : f32
    %max3A_61 = vector.broadcast %max3A : f32 to vector<32x48x1xf32>
    %max3A_62 = arith.maximumf %broadcast_in_dim3A_60, %max3A_61 : vector<32x48x1xf32>
    %div3A = vector.broadcast %max3A_62 : vector<32x48x1xf32> to vector<32x48x48xf32>
    %div3A_63 = arith.divf %exp3A, %div3A : vector<32x48x48xf32>
    %dot_general3A_64 = arith.constant dense<0.000000e+00> : vector<32x48x32xf32>
    %dot_general3A_65 = tpu.matmul %div3A_63, %reshape3A_32, %dot_general3A_64 {dimension_numbers = #tpu.dot_dimension_numbers<[2], [1], [1], [2], [0, 0, 0, 1, 1, 2], [0], [0]>, transpose_lhs_hint = false} : vector<32x48x48xf32>, vector<32x48x32xf32>, vector<32x48x32xf32> -> vector<32x48x32xf32>
    %broadcast_in_dim3A_66 = vector.shape_cast %get3A_29 : vector<1x32xf32> to vector<1x1x32xf32>
    %add3A_67 = vector.broadcast %broadcast_in_dim3A_66 : vector<1x1x32xf32> to vector<32x48x32xf32>
    %add3A_68 = arith.addf %dot_general3A_65, %add3A_67 : vector<32x48x32xf32>
    %gt3A = arith.constant 0.000000e+00 : f32
    %gt3A_69 = vector.broadcast %gt3A : f32 to vector<32x48x32xf32>
    %gt3A_70 = arith.cmpf ogt, %add3A_68, %gt3A_69 : vector<32x48x32xf32>
    %min3A = arith.constant 0.000000e+00 : f32
    %min3A_71 = vector.broadcast %min3A : f32 to vector<32x48x32xf32>
    %min3A_72 = arith.minimumf %add3A_68, %min3A_71 : vector<32x48x32xf32>
    %exp3A_73 = math.exp %min3A_72 : vector<32x48x32xf32>
    %sub3A_74 = arith.constant 1.000000e+00 : f32
    %sub3A_75 = vector.broadcast %sub3A_74 : f32 to vector<32x48x32xf32>
    %sub3A_76 = arith.subf %exp3A_73, %sub3A_75 : vector<32x48x32xf32>
    %select_n3A_77 = arith.select %gt3A_70, %add3A_68, %sub3A_76 : vector<32x48x32xi1>, vector<32x48x32xf32>
    %get3A_78 = arith.constant 0 : index
    %get3A_79 = arith.constant 0 : index
    %get3A_80 = vector.load %arg9[%get3A_78, %get3A_79] : memref<32x32xf32, #tpu.memory_space<vmem>>, vector<32x32xf32>
    %get3A_81 = arith.constant 0 : index
    %get3A_82 = arith.constant 0 : index
    %get3A_83 = vector.load %arg10[%get3A_81, %get3A_82] : memref<1x32xf32, #tpu.memory_space<vmem>>, vector<1x32xf32>
    %get3A_84 = arith.constant 0 : index
    %get3A_85 = arith.constant 0 : index
    %get3A_86 = vector.load %arg11[%get3A_84, %get3A_85] : memref<1x32xf32, #tpu.memory_space<vmem>>, vector<1x32xf32>
    %get3A_87 = arith.constant 0 : index
    %get3A_88 = arith.constant 0 : index
    %get3A_89 = vector.load %arg12[%get3A_87, %get3A_88] : memref<1x32xf32, #tpu.memory_space<vmem>>, vector<1x32xf32>
    %reshape3A_90 = vector.shape_cast %select_n3A_77 : vector<32x48x32xf32> to vector<1536x32xf32>
    %dot_general3A_91 = arith.constant dense<0.000000e+00> : vector<1536x32xf32>
    %dot_general3A_92 = tpu.matmul %reshape3A_90, %get3A_80, %dot_general3A_91 {dimension_numbers = #tpu.dot_dimension_numbers<[1], [0], [0], [1], [0, 0, 1, 1], [], []>, transpose_lhs_hint = false} : vector<1536x32xf32>, vector<32x32xf32>, vector<1536x32xf32> -> vector<1536x32xf32>
    %reshape3A_93 = vector.shape_cast %dot_general3A_92 : vector<1536x32xf32> to vector<32x48x32xf32>
    %broadcast_in_dim3A_94 = vector.shape_cast %get3A_86 : vector<1x32xf32> to vector<1x1x32xf32>
    %mul3A_95 = vector.broadcast %broadcast_in_dim3A_94 : vector<1x1x32xf32> to vector<32x48x32xf32>
    %mul3A_96 = arith.mulf %reshape3A_93, %mul3A_95 : vector<32x48x32xf32>
    %reduce_sum3A_97 = arith.constant dense<0.000000e+00> : vector<32x48xf32>
    %reduce_sum3A_98 = vector.multi_reduction <add>, %mul3A_96, %reduce_sum3A_97 [2] : vector<32x48x32xf32> to vector<32x48xf32>
    %broadcast_in_dim3A_99 = vector.shape_cast %reduce_sum3A_98 : vector<32x48xf32> to vector<32x48x1xf32>
    %broadcast_in_dim3A_100 = vector.shape_cast %get3A_83 : vector<1x32xf32> to vector<1x1x32xf32>
    %mul3A_101 = vector.broadcast %broadcast_in_dim3A_100 : vector<1x1x32xf32> to vector<32x48x32xf32>
    %mul3A_102 = arith.mulf %reshape3A_93, %mul3A_101 : vector<32x48x32xf32>
    %reduce_sum3A_103 = arith.constant dense<0.000000e+00> : vector<32x48xf32>
    %reduce_sum3A_104 = vector.multi_reduction <add>, %mul3A_102, %reduce_sum3A_103 [2] : vector<32x48x32xf32> to vector<32x48xf32>
    %broadcast_in_dim3A_105 = vector.shape_cast %reduce_sum3A_104 : vector<32x48xf32> to vector<32x48x1xf32>
    %transpose3A_106 = tpu.transpose %broadcast_in_dim3A_105, [0, 2, 1] : vector<32x48x1xf32> -> vector<32x1x48xf32>
    %add3A_107 = vector.broadcast %broadcast_in_dim3A_99 : vector<32x48x1xf32> to vector<32x48x48xf32>
    %add3A_108 = vector.broadcast %transpose3A_106 : vector<32x1x48xf32> to vector<32x48x48xf32>
    %add3A_109 = arith.addf %add3A_107, %add3A_108 : vector<32x48x48xf32>
    %ge3A_110 = arith.constant 0.000000e+00 : f32
    %ge3A_111 = vector.broadcast %ge3A_110 : f32 to vector<32x48x48xf32>
    %ge3A_112 = arith.cmpf oge, %add3A_109, %ge3A_111 : vector<32x48x48xf32>
    %mul3A_113 = arith.constant 2.000000e-01 : f32
    %mul3A_114 = vector.broadcast %mul3A_113 : f32 to vector<32x48x48xf32>
    %mul3A_115 = arith.mulf %mul3A_114, %add3A_109 : vector<32x48x48xf32>
    %select_n3A_116 = arith.select %ge3A_112, %add3A_109, %mul3A_115 : vector<32x48x48xi1>, vector<32x48x48xf32>
    %broadcast_in_dim3A_117 = vector.shape_cast %get3A_17 : vector<48x48xf32> to vector<1x48x48xf32>
    %add3A_118 = vector.broadcast %broadcast_in_dim3A_117 : vector<1x48x48xf32> to vector<32x48x48xf32>
    %add3A_119 = arith.addf %select_n3A_116, %add3A_118 : vector<32x48x48xf32>
    %reduce_max3A_120 = arith.constant dense<0xFF800000> : vector<32x48xf32>
    %reduce_max3A_121 = vector.multi_reduction <maximumf>, %add3A_119, %reduce_max3A_120 [2] : vector<32x48x48xf32> to vector<32x48xf32>
    %broadcast_in_dim3A_122 = vector.shape_cast %reduce_max3A_121 : vector<32x48xf32> to vector<32x48x1xf32>
    %sub3A_123 = vector.broadcast %broadcast_in_dim3A_122 : vector<32x48x1xf32> to vector<32x48x48xf32>
    %sub3A_124 = arith.subf %add3A_119, %sub3A_123 : vector<32x48x48xf32>
    %exp3A_125 = math.exp %sub3A_124 : vector<32x48x48xf32>
    %reduce_sum3A_126 = arith.constant dense<0.000000e+00> : vector<32x48xf32>
    %reduce_sum3A_127 = vector.multi_reduction <add>, %exp3A_125, %reduce_sum3A_126 [2] : vector<32x48x48xf32> to vector<32x48xf32>
    %broadcast_in_dim3A_128 = vector.shape_cast %reduce_sum3A_127 : vector<32x48xf32> to vector<32x48x1xf32>
    %max3A_129 = arith.constant 1.000000e-16 : f32
    %max3A_130 = vector.broadcast %max3A_129 : f32 to vector<32x48x1xf32>
    %max3A_131 = arith.maximumf %broadcast_in_dim3A_128, %max3A_130 : vector<32x48x1xf32>
    %div3A_132 = vector.broadcast %max3A_131 : vector<32x48x1xf32> to vector<32x48x48xf32>
    %div3A_133 = arith.divf %exp3A_125, %div3A_132 : vector<32x48x48xf32>
    %dot_general3A_134 = arith.constant dense<0.000000e+00> : vector<32x48x32xf32>
    %dot_general3A_135 = tpu.matmul %div3A_133, %reshape3A_93, %dot_general3A_134 {dimension_numbers = #tpu.dot_dimension_numbers<[2], [1], [1], [2], [0, 0, 0, 1, 1, 2], [0], [0]>, transpose_lhs_hint = false} : vector<32x48x48xf32>, vector<32x48x32xf32>, vector<32x48x32xf32> -> vector<32x48x32xf32>
    %broadcast_in_dim3A_136 = vector.shape_cast %get3A_89 : vector<1x32xf32> to vector<1x1x32xf32>
    %add3A_137 = vector.broadcast %broadcast_in_dim3A_136 : vector<1x1x32xf32> to vector<32x48x32xf32>
    %add3A_138 = arith.addf %dot_general3A_135, %add3A_137 : vector<32x48x32xf32>
    %gt3A_139 = arith.constant 0.000000e+00 : f32
    %gt3A_140 = vector.broadcast %gt3A_139 : f32 to vector<32x48x32xf32>
    %gt3A_141 = arith.cmpf ogt, %add3A_138, %gt3A_140 : vector<32x48x32xf32>
    %min3A_142 = arith.constant 0.000000e+00 : f32
    %min3A_143 = vector.broadcast %min3A_142 : f32 to vector<32x48x32xf32>
    %min3A_144 = arith.minimumf %add3A_138, %min3A_143 : vector<32x48x32xf32>
    %exp3A_145 = math.exp %min3A_144 : vector<32x48x32xf32>
    %sub3A_146 = arith.constant 1.000000e+00 : f32
    %sub3A_147 = vector.broadcast %sub3A_146 : f32 to vector<32x48x32xf32>
    %sub3A_148 = arith.subf %exp3A_145, %sub3A_147 : vector<32x48x32xf32>
    %select_n3A_149 = arith.select %gt3A_141, %add3A_138, %sub3A_148 : vector<32x48x32xi1>, vector<32x48x32xf32>
    %reshape3A_150 = vector.shape_cast %select_n3A_149 : vector<32x48x32xf32> to vector<1536x32xf32>
    %get3A_151 = arith.constant 0 : index
    %get3A_152 = arith.constant 0 : index
    %get3A_153 = vector.load %arg17[%get3A_151, %get3A_152] : memref<1536x32xf32, #tpu.memory_space<vmem>>, vector<1536x32xf32>
    %get3A_154 = arith.constant 0 : index
    %get3A_155 = arith.constant 0 : index
    %get3A_156 = vector.load %arg18[%get3A_154, %get3A_155] : memref<1536x32xf32, #tpu.memory_space<vmem>>, vector<1536x32xf32>
    %get3A_157 = arith.constant 0 : index
    %get3A_158 = arith.constant 0 : index
    %get3A_159 = vector.load %arg13[%get3A_157, %get3A_158] : memref<32x128xf32, #tpu.memory_space<vmem>>, vector<32x128xf32>
    %get3A_160 = arith.constant 0 : index
    %get3A_161 = arith.constant 0 : index
    %get3A_162 = vector.load %arg14[%get3A_160, %get3A_161] : memref<32x128xf32, #tpu.memory_space<vmem>>, vector<32x128xf32>
    %get3A_163 = arith.constant 0 : index
    %get3A_164 = arith.constant 0 : index
    %get3A_165 = vector.load %arg15[%get3A_163, %get3A_164] : memref<1x128xf32, #tpu.memory_space<vmem>>, vector<1x128xf32>
    %dot_general3A_166 = arith.constant dense<0.000000e+00> : vector<1536x128xf32>
    %dot_general3A_167 = tpu.matmul %reshape3A_150, %get3A_159, %dot_general3A_166 {dimension_numbers = #tpu.dot_dimension_numbers<[1], [0], [0], [1], [0, 0, 1, 1], [], []>, transpose_lhs_hint = false} : vector<1536x32xf32>, vector<32x128xf32>, vector<1536x128xf32> -> vector<1536x128xf32>
    %dot_general3A_168 = arith.constant dense<0.000000e+00> : vector<1536x128xf32>
    %dot_general3A_169 = tpu.matmul %get3A_153, %get3A_162, %dot_general3A_168 {dimension_numbers = #tpu.dot_dimension_numbers<[1], [0], [0], [1], [0, 0, 1, 1], [], []>, transpose_lhs_hint = false} : vector<1536x32xf32>, vector<32x128xf32>, vector<1536x128xf32> -> vector<1536x128xf32>
    %add3A_170 = arith.addf %dot_general3A_167, %dot_general3A_169 : vector<1536x128xf32>
    %add3A_171 = vector.broadcast %get3A_165 : vector<1x128xf32> to vector<1536x128xf32>
    %add3A_172 = arith.addf %add3A_170, %add3A_171 : vector<1536x128xf32>
    %slice3A_173 = vector.extract_strided_slice %add3A_172 {offsets = [0, 0], sizes = [1536, 32], strides = [1, 1]} : vector<1536x128xf32> to vector<1536x32xf32>
    %slice3A_174 = vector.extract_strided_slice %add3A_172 {offsets = [0, 32], sizes = [1536, 32], strides = [1, 1]} : vector<1536x128xf32> to vector<1536x32xf32>
    %slice3A_175 = vector.extract_strided_slice %add3A_172 {offsets = [0, 64], sizes = [1536, 32], strides = [1, 1]} : vector<1536x128xf32> to vector<1536x32xf32>
    %slice3A_176 = vector.extract_strided_slice %add3A_172 {offsets = [0, 96], sizes = [1536, 32], strides = [1, 1]} : vector<1536x128xf32> to vector<1536x32xf32>
    %logistic3A = arith.negf %slice3A_174 : vector<1536x32xf32>
    %logistic3A_177 = math.exp %logistic3A : vector<1536x32xf32>
    %logistic3A_178 = arith.constant 1.000000e+00 : f32
    %logistic3A_179 = vector.broadcast %logistic3A_178 : f32 to vector<1536x32xf32>
    %logistic3A_180 = arith.addf %logistic3A_179, %logistic3A_177 : vector<1536x32xf32>
    %logistic3A_181 = arith.divf %logistic3A_179, %logistic3A_180 : vector<1536x32xf32>
    %mul3A_182 = arith.mulf %logistic3A_181, %get3A_156 : vector<1536x32xf32>
    %logistic3A_183 = arith.negf %slice3A_173 : vector<1536x32xf32>
    %logistic3A_184 = math.exp %logistic3A_183 : vector<1536x32xf32>
    %logistic3A_185 = arith.constant 1.000000e+00 : f32
    %logistic3A_186 = vector.broadcast %logistic3A_185 : f32 to vector<1536x32xf32>
    %logistic3A_187 = arith.addf %logistic3A_186, %logistic3A_184 : vector<1536x32xf32>
    %logistic3A_188 = arith.divf %logistic3A_186, %logistic3A_187 : vector<1536x32xf32>
    %tanh3A = math.tanh %slice3A_175 : vector<1536x32xf32>
    %mul3A_189 = arith.mulf %logistic3A_188, %tanh3A : vector<1536x32xf32>
    %add3A_190 = arith.addf %mul3A_182, %mul3A_189 : vector<1536x32xf32>
    %logistic3A_191 = arith.negf %slice3A_176 : vector<1536x32xf32>
    %logistic3A_192 = math.exp %logistic3A_191 : vector<1536x32xf32>
    %logistic3A_193 = arith.constant 1.000000e+00 : f32
    %logistic3A_194 = vector.broadcast %logistic3A_193 : f32 to vector<1536x32xf32>
    %logistic3A_195 = arith.addf %logistic3A_194, %logistic3A_192 : vector<1536x32xf32>
    %logistic3A_196 = arith.divf %logistic3A_194, %logistic3A_195 : vector<1536x32xf32>
    %tanh3A_197 = math.tanh %add3A_190 : vector<1536x32xf32>
    %mul3A_198 = arith.mulf %logistic3A_196, %tanh3A_197 : vector<1536x32xf32>
    %swap3A = arith.constant 0 : index
    %swap3A_199 = arith.constant 0 : index
    %swap3A_200 = vector.load %arg17[%swap3A, %swap3A_199] : memref<1536x32xf32, #tpu.memory_space<vmem>>, vector<1536x32xf32>
    tpu.vector_store %arg17[%swap3A, %swap3A_199], %mul3A_198 {strides = array<i32>} : memref<1536x32xf32, #tpu.memory_space<vmem>>, vector<1536x32xf32>,
    %swap3A_201 = arith.constant 0 : index
    %swap3A_202 = arith.constant 0 : index
    %swap3A_203 = vector.load %arg18[%swap3A_201, %swap3A_202] : memref<1536x32xf32, #tpu.memory_space<vmem>>, vector<1536x32xf32>
    tpu.vector_store %arg18[%swap3A_201, %swap3A_202], %add3A_190 {strides = array<i32>} : memref<1536x32xf32, #tpu.memory_space<vmem>>, vector<1536x32xf32>,
    %reshape3A_204 = vector.shape_cast %mul3A_198 : vector<1536x32xf32> to vector<32x1x48x32xf32>
    %swap3A_205 = arith.constant 0 : index
    %swap3A_206 = arith.constant 0 : index
    %swap3A_207 = arith.constant 0 : index
    %swap3A_208 = arith.constant 0 : index
    %swap3A_209 = vector.load %arg16[%swap3A_205, %swap3A_206, %swap3A_207, %swap3A_208] : memref<32x1x48x32xf32, #tpu.memory_space<vmem>>, vector<32x1x48x32xf32>
    tpu.vector_store %arg16[%swap3A_205, %swap3A_206, %swap3A_207, %swap3A_208], %reshape3A_204 {strides = array<i32>} : memref<32x1x48x32xf32, #tpu.memory_space<vmem>>, vector<32x1x48x32xf32>,
    return
  }
  func.func @transform_0(%arg0: i32, %arg1: i32) -> (i32, i32, i32, i32) {
    %c0_i32 = arith.constant 0 : i32
    %c0_i32_0 = arith.constant 0 : i32
    %c0_i32_1 = arith.constant 0 : i32
    return %arg0, %arg1, %c0_i32, %c0_i32_0 : i32, i32, i32, i32
  }
  func.func @transform_1(%arg0: i32, %arg1: i32) -> (i32, i32, i32) {
    %c0_i32 = arith.constant 0 : i32
    %c0_i32_0 = arith.constant 0 : i32
    %c0_i32_1 = arith.constant 0 : i32
    return %arg1, %c0_i32, %c0_i32_0 : i32, i32, i32
  }
  func.func @transform_2(%arg0: i32, %arg1: i32) -> (i32, i32) {
    %c0_i32 = arith.constant 0 : i32
    %c0_i32_0 = arith.constant 0 : i32
    %c0_i32_1 = arith.constant 0 : i32
    return %c0_i32, %c0_i32_0 : i32, i32
  }
  func.func @transform_3(%arg0: i32, %arg1: i32) -> (i32, i32) {
    %c0_i32 = arith.constant 0 : i32
    %c0_i32_0 = arith.constant 0 : i32
    %c0_i32_1 = arith.constant 0 : i32
    return %c0_i32, %c0_i32_0 : i32, i32
  }
  func.func @transform_4(%arg0: i32, %arg1: i32) -> (i32, i32) {
    %c0_i32 = arith.constant 0 : i32
    %c0_i32_0 = arith.constant 0 : i32
    %c0_i32_1 = arith.constant 0 : i32
    return %c0_i32, %c0_i32_0 : i32, i32
  }
  func.func @transform_5(%arg0: i32, %arg1: i32) -> (i32, i32) {
    %c0_i32 = arith.constant 0 : i32
    %c0_i32_0 = arith.constant 0 : i32
    %c0_i32_1 = arith.constant 0 : i32
    return %c0_i32, %c0_i32_0 : i32, i32
  }
  func.func @transform_6(%arg0: i32, %arg1: i32) -> (i32, i32) {
    %c0_i32 = arith.constant 0 : i32
    %c0_i32_0 = arith.constant 0 : i32
    %c0_i32_1 = arith.constant 0 : i32
    return %c0_i32, %c0_i32_0 : i32, i32
  }
  func.func @transform_7(%arg0: i32, %arg1: i32) -> (i32, i32) {
    %c0_i32 = arith.constant 0 : i32
    %c0_i32_0 = arith.constant 0 : i32
    %c0_i32_1 = arith.constant 0 : i32
    return %c0_i32, %c0_i32_0 : i32, i32
  }
  func.func @transform_8(%arg0: i32, %arg1: i32) -> (i32, i32) {
    %c0_i32 = arith.constant 0 : i32
    %c0_i32_0 = arith.constant 0 : i32
    %c0_i32_1 = arith.constant 0 : i32
    return %c0_i32, %c0_i32_0 : i32, i32
  }
  func.func @transform_9(%arg0: i32, %arg1: i32) -> (i32, i32) {
    %c0_i32 = arith.constant 0 : i32
    %c0_i32_0 = arith.constant 0 : i32
    %c0_i32_1 = arith.constant 0 : i32
    return %c0_i32, %c0_i32_0 : i32, i32
  }
  func.func @transform_10(%arg0: i32, %arg1: i32) -> (i32, i32) {
    %c0_i32 = arith.constant 0 : i32
    %c0_i32_0 = arith.constant 0 : i32
    %c0_i32_1 = arith.constant 0 : i32
    return %c0_i32, %c0_i32_0 : i32, i32
  }
  func.func @transform_11(%arg0: i32, %arg1: i32) -> (i32, i32) {
    %c0_i32 = arith.constant 0 : i32
    %c0_i32_0 = arith.constant 0 : i32
    %c0_i32_1 = arith.constant 0 : i32
    return %c0_i32, %c0_i32_0 : i32, i32
  }
  func.func @transform_12(%arg0: i32, %arg1: i32) -> (i32, i32) {
    %c0_i32 = arith.constant 0 : i32
    %c0_i32_0 = arith.constant 0 : i32
    %c0_i32_1 = arith.constant 0 : i32
    return %c0_i32, %c0_i32_0 : i32, i32
  }
  func.func @transform_13(%arg0: i32, %arg1: i32) -> (i32, i32) {
    %c0_i32 = arith.constant 0 : i32
    %c0_i32_0 = arith.constant 0 : i32
    %c0_i32_1 = arith.constant 0 : i32
    return %c0_i32, %c0_i32_0 : i32, i32
  }
  func.func @transform_14(%arg0: i32, %arg1: i32) -> (i32, i32, i32, i32) {
    %c0_i32 = arith.constant 0 : i32
    %c0_i32_0 = arith.constant 0 : i32
    %c0_i32_1 = arith.constant 0 : i32
    return %arg0, %arg1, %c0_i32, %c0_i32_0 : i32, i32, i32, i32
  }
}

</mosaic_0001>

<sc_bundles>
// kernel: sparse-core-data-format-call.cloned.1.call-start
scs
called_computation_lowered:
.L_overlay_start_0:
0x0: {  	s2 =	sld [smem:$0x3FD9]  }
0x1: {  	s3 =	sld [smem:$0x3FFE];
	_ =	sdelay $0x1  }
0x2: {  	s1 =	srdreg.scid  }
0x3: {  	s0 =	sand.u32 $0x1, s1  }
0x4: {  	s15 =	sshll.u32 s0, $0xA;
	s2 =	sadd.s32 s3, s2  }
0x5: {  	s2 =	sadd.s32 s2, s15  }
0x6: {  	[smem:$0x3FB0] =	sst s2  }
0x7: {  	_ = 	snop  }
0x8: {  	s2 =	sld [smem:$0x3FD0];
	_ =	sdelay $0x2  }
0x9: {  	s16 =	simm.s32 $0xA;
	s4 =	simm.s32 $0x10  }
0xa: {  	[smem:s4], [sflag:s16] =	dma.local [hbm:s2], $0x1  }
0xb: {  	_ =	swait.eq [sflag:s16], $0x1  }
0xc: {  	[sflag:s16] =	ssyncset.done $0x0  }
0xd: {  	[sflag:s16] =	ssyncadd.s32 $0xFFFFFFFF  }
0xe: {  	s17 =	sld [smem:$0x11];
	(tm) =	ssettm $0x1  }
0xf: {  	s18 =	sld [smem:$0x3FFB];
	_ =	sdelay $0x3  }
0x10: {  	_ =	strace s18  }
0x11: {  	s3 =	sld [smem:$0x3FFC];
	_ =	sdelay $0x3  }
0x12: {  	_ =	strace s3  }
0x13: {  	s3 =	sld [smem:$0x3FFD];
	_ =	sdelay $0x3  }
0x14: {  	_ =	strace s3  }
0x15: {  	_ =	strace $0x8FFFFFFF  }
0x16: {  	s19 =	sld [smem:$0x3FDB];
	_ =	sdelay $0x1  }
0x17: {  	s20 =	simm.s32 $_scs_section_size  }
0x18: {  	s5 =	simm.s32 $_size__tile_overlayer_lowered;
	s6 =	simm.s32 $_tile_overlayer_lowered  }
0x19: {  	s23 =	simm.s32 $0x1BFF;
	s22 =	sshll.u32 s6, $0x1;
	s3 =	sadd.s32 s20, s19  }
0x1a: {  	s7 =	simm.s32 $0x0;
	s21 =	sshll.u32 s5, $0x1;
	s5 =	sadd.s32 s22, s3  }
0x1b: {  	[timem:s7], [sflag:s23] =	dma.local [hbm:s5], s21  }
0x1c: {  	_ =	swait.ge [sflag:s23], s21  }
0x1d: {  	s4 =	ssub.s32 $0x0, s21;
	[sflag:s23] =	ssyncset.done $0x0  }
0x1e: {  	[sflag:s23] =	ssyncadd.s32 s4;
	_ =	sdelay $0x1  }
0x1f: {  	s24 =	simm.s32 $0x1B8B  }
0x20: {  	_ =	swait.ge [sflag:s24], $0x1  }
0x21: {  	[sflag:s24] =	ssyncset.done $0x0  }
0x22: {  	s26 =	simm.s32 $0x1B8E;
	s25 =	sld [smem:$0x3FFE];
	[sflag:s24] =	ssyncadd.s32 $0xFFFFFFFF  }
0x23: {  	s27 =	simm.s32 $execute0_lowered;
	[smem:$0x3FD2] =	sst s26  }
0x24: {  	s5 =	sshll.u32 s27, $0x1;
	_ =	strace $0x80000046;
	[dreg:$0x1] =	wrdreg $0xFFFFFFFF  }
0x25: {  	s28 =	simm.s32 $_size_execute0_lowered;
	s3 =	sadd.s32 s3, s5;
	[dreg:$0x0] =	wrdreg $0x0  }
0x26: {  	s5 =	sshll.u32 s28, $0x1;
	[dreg:$0x2] =	wrdreg s3  }
0x27: {  	[dreg:$0x3] =	wrdreg s5  }
0x28: {  	[dreg:$0x4] =	wrdreg $0xC0  }
0x29: {  	_ =	task [dreg:s7], $0x5FFFF  }
0x2a: {  	[dreg:$0x1] =	wrdreg $0xFFFFFFFF  }
0x2b: {  	[dreg:$0x0] =	wrdreg $0x60  }
0x2c: {  	[dreg:$0x2] =	wrdreg s25  }
0x2d: {  	[dreg:$0x3] =	wrdreg s17  }
0x2e: {  	[dreg:$0x4] =	wrdreg $0x9  }
0x2f: {  	_ =	task.clear_ibuf [dreg:s7], $0x5FFFF;
	_ =	strace $0x90000046  }
0x30: {  	s29 =	simm.s32 $0x9;
	_ =	strace $0x80000048  }
0x31: {  	_ =	swait.ge [sflag:s29], $0x1  }
0x32: {  	[sflag:s29] =	ssyncadd.s32 $0xFFFFFFFF  }
0x33: {  	_ =	strace $0x90000048  }
0x34: {  	_ =	sfence  }
0x35: {  	s30 =	sld [smem:$0x0];
	_ =	sdelay $0x2  }
0x36: {  	s31 =	sshll.u32 s1, $0xD;
	s1 =	sshrl.u32 s1, $0x2  }
0x37: {  	s3 =	sand.u32 $0x4000, s31;
	s1 =	sadd.s32 s1, s30  }
0x38: {  	s0 =	sor.u32 s3, s0;
	s1 =	sshll.u32 s1, $0x11  }
0x39: {  	s0 =	sor.u32 s1, s0  }
0x3a: {  	s0 =	sadd.s32 $0x8F2B, s0  }
0x3b: {  	[sflag:s0] =	ssyncadd.remote.s32 $0x1  }
0x3c: {  	_ =	sfence.sel $0xFFFF  }
0x3d: {  	[dreg:$0x0] =	wrdreg $0xFFFFFFFF;
	(pc) =	sbr.abs _section_cstart, $3  }
0x3e: {  	[dreg:$0x1] =	wrdreg $0xFFFFFFFF  }
0x3f: {  	_ =	task.clear_ibuf [dreg:s7], $0x2FFFF;
	_ =	strace $0x9FFFFFFF  }
0x40: {  	(tm) =	ssettm $0x7FFFFFFF  }
0x41: {  	_ =	shalt  }
tec
execute0_lowered:
.L_overlay_start_1:
0x0: {  	(tag) =	ssettag $0x1  }
0x1: {  	s0 =	srdreg.scid  }
0x2: {  	s1 =	sshll.u32 s0, $0x4  }
0x3: {  	s6 =	rddreg [dreg:$0x0];
	s0 =	stileid.u32;
	s1 =	sand.u32 $0x10, s1  }
0x4: {  	s3 =	rddreg [dreg:$0x1];
	s1 =	sor.u32 s0, s1  }
0x5: {  	s5 =	simm.s32 $0x1;
	s31 =	simm.s32 $0x2;
	s2 =	sshll.u32 s1, $0x1  }
0x6: {  	s13 =	simm.s32 $0x0;
	s8 =	simm.s32 $0x60000;
	s4 =	ssub.s32 $0x40, s2  }
0x7: {  	s14 =	simm.s32 $0x0;
	s15 =	simm.s32 $0x0;
	s30 =	sand.u32 $0x3E, s4  }
0x8: {  	s9 =	simm.s32 $0x0;
	s10 =	simm.s32 $0x0;
	p0 =	sne.s32 s30, $0x0  }
.Ltmp0:
0x9: {  	s7 =	sshrl.u32 s4, $0x6;
	s5 =	simm.s32 @!p0 $0x0;
	(pc) =	sbr.rel .LBB1_1-.Ltmp0, $4  }
0xa: {  	s12 =	simm.s32 $0x0;
	s1 =	rddreg [dreg:$0x2];
	s5 =	sadd.s32 s5, s7  }
0xb: {  	_ =	strace $0x80000047;
	s4 =	simm.s32 $0x1;
	s5 =	smul.u32 $0x30, s5  }
0xc: {  	s6 =	sadd.s32 $0xE03000, s6;
	s11 =	smov.u32 s2;
	[sflag:s4] =	ssyncpa.u1 $0x0  }
0xd: {  	[sflag:s31] =	ssyncpa.u1 $0x0;
	p0 =	por $0x0, $0x0;
	s7 =	sor.u32 $0x1, s5  }
.LBB1_7:
0xe: {  	s16 =	sadd.s32 $0x1, s9  }
0xf: {  	s13 =	sadd.s32 $0x80, s10;
	s17 =	smov.u32 s10;
	p2 =	sgt.s32 s16, $0x2F  }
0x10: {  	s17 =	smov.u32 @p2 s13  }
0x11: {  	s19 =	smov.u32 s11;
	s13 =	sadd.s32 $0x40, s11;
	p3 =	sgt.s32 s17, $0x7F  }
0x12: {  	s19 =	smov.u32 @p3 s13  }
0x13: {  	s16 =	simm.s32 @p2 $0x0;
	p2 =	sgt.s32 s19, $0x3F  }
0x14: {  	p1 =	slt.u32 s12, $0x2;
	s19 =	smov.u32 @p2 s2;
	p2 =	sne.s32 s12, s7  }
.Ltmp1:
0x15: {  	s18 =	simm.s32 @!p1 $0x2;
	(pc) =	sbr.rel @!p2 .LBB1_8-.Ltmp1, $4  }
0x16: {  	s14 =	smov.u32 s10;
	s15 =	smov.u32 s11;
	_ =	swait.ge @!p1 [sflag:s18], $0x4000  }
0x17: {  	p0 =	por !p0, !p0;
	[sflag:s18] =	ssyncset.done @!p1 $0x0;
	s17 =	simm.s32 @p3 $0x0  }
0x18: {  	s13 =	smov.u32 s9;
	[sflag:s18] =	ssyncadd.s32 @!p1 $0xFFFFC000;
	s9 =	smov.u32 s16  }
0x19: {  	s10 =	smov.u32 s17;
	s12 =	sadd.s32 $0x1, s12;
	s11 =	smov.u32 s19  }
.LBB1_1:
0x1a: {  	p1 =	sge.u32 s12, s5  }
0x1b: {  	s16 =	sand.u32 @!p1 $0x1FFFFFF, s9;
	s18 =	smul.u32 @!p1 $0x18000, s11  }
0x1c: {  	s17 =	smulhi.u32 @!p1 $0x5555556, s16  }
0x1d: {  	s20 =	smul.u32 @!p1 $0x300, s10  }
0x1e: {  	s17 =	smul.u32 @!p1 $0x30, s17  }
0x1f: {  	s31 =	sadd.s32 $0xFFFFFFFF, s12;
	s18 =	sadd.s32 @!p1 s6, s18  }
0x20: {  	s19 =	sxor.u32 @!p1 $0xFFFFFFFF, s12;
	s18 =	sadd.s32 @!p1 s20, s18;
	s16 =	ssub.s32 @!p1 s16, s17  }
0x21: {  	s17 =	sshll.u32 @!p1 s19, $0xE;
	s19 =	simm.s32 @!p1 $0x1800;
	s16 =	sshll.u32 @!p1 s16, $0x4  }
0x22: {  	s17 =	sand.u32 @!p1 $0x4000, s17;
	s16 =	sadd.s32 @!p1 s16, s18;
	s18 =	simm.s32 @!p1 $0x40  }
0x23: {  	[tilespmem:s17], [sflag:$0x1] =	stream.strided.gather @!p1 [hbm4b:s16+s18], $0x4000, s19, s18, $0x38;
	[tilespmem:$0x10100] =	vst v63  }
0x24: {  	p1 =	sge.u32 s31, s5  }
.Ltmp2:
0x25: {  	_ = 	snop;
	(pc) =	sbr.rel @p1 .LBB1_7-.Ltmp2, $1  }
0x26: {  	_ =	sdelay $0x3  }
0x27: {  	s16 =	simm.s32 $0x1;
	s18 =	sand.u32 $0x1, s12  }
0x28: {  	_ =	swait.ge [sflag:s4], $0x4000;
	s16 =	simm.s32 @!p0 $0x0;
	s18 =	smul.u32 $0x10200, s18  }
0x29: {  	p2 =	por $0x1, $0x1;
	[sflag:s4] =	ssyncset.done $0x0;
	s17 =	smul.u32 $0x10200, s16  }
0x2a: {  	s19 =	sshll.u32 s16, $0x10;
	[sflag:s4] =	ssyncadd.s32 $0xFFFFC000;
	s30 =	sshrl.u32 s18, $0x2  }
0x2b: {  	s31 =	sshrl.u32 s19, $0x2;
	s19 =	simm.s32 $0x0;
	s17 =	sshrl.u32 s17, $0x2  }
0x2c: {  	s16 =	sor.u32 $0x8000, s30;
	s18 =	sadd.s32 $0x20, s31;
	s17 =	sor.u32 $0x8000, s17  }
.LBB1_3:
0x2d: {  	s20 =	sshll.u32 s19, $0xD  }
0x2e: {  	s20 =	sand.u32 $0x3FFFE000, s20  }
0x2f: {  	s22 =	sadd.s32 s20, s18  }
0x30: {  	s31 =	smul.u32 $0x8100, s19;
	v3 =	vld [tilespmem:s22+$0x10]  }
0x31: {  	v1 =	vld [tilespmem:s22+$0xFFFFFFF0]  }
0x32: {  	s19 =	sshra.s32 s31, $0x2;
	v0 =	vld [tilespmem:s22+$0x0]  }
0x33: {  	s19 =	sadd.s32 s19, s17;
	v2 =	vld [tilespmem:s22+$0xFFFFFFE0]  }
0x34: {  	s20 =	sadd.s32 $0x0, s19  }
0x35: {  	p1 =	por p2, p2;
	s21 =	simm.s32 $0x4;
	s22 =	sadd.s32 $0x40, s22;
	[tilespmem:s20+$0x1830 ss:$0x81] =	vst.msk $0xffff, v3  }
.LBB1_4:
0x36: {  	v3 =	vld [tilespmem:s22+$0x10];
	p2 =	sne.s32 s21, $0x1FC;
	[tilespmem:s20+$0x810 ss:$0x81] =	vst.msk $0xffff, v1;
	s23 =	smov.u32 s21;
	s21 =	sadd.s32 $0x4, s21  }
.Ltmp3:
0x37: {  	v1 =	vld [tilespmem:s22+$0xFFFFFFF0];
	[tilespmem:s20+$0x1020 ss:$0x81] =	vst.msk $0xffff, v0;
	(pc) =	sbr.rel @p2 .LBB1_4-.Ltmp3, $4  }
0x38: {  	v0 =	vld [tilespmem:s22+$0x0];
	[tilespmem:s20+$0x0 ss:$0x81] =	vst.msk $0xffff, v2  }
0x39: {  	s20 =	sshra.s32 s23, $0x2;
	v2 =	vld [tilespmem:s22+$0xFFFFFFE0]  }
0x3a: {  	s20 =	sadd.s32 s20, s19  }
0x3b: {  	s22 =	sadd.s32 $0x40, s22;
	[tilespmem:s20+$0x1830 ss:$0x81] =	vst.msk $0xffff, v3  }
.Ltmp4:
0x3c: {  	(pc) =	sbr.rel @p1 .LBB1_3-.Ltmp4, $4  }
0x3d: {  	_ = 	snop  }
0x3e: {  	[tilespmem:s20+$0x810 ss:$0x81] =	vst.msk $0xffff, v1  }
0x3f: {  	[tilespmem:s20+$0x1020 ss:$0x81] =	vst.msk $0xffff, v0  }
0x40: {  	s19 =	simm.s32 $0x1;
	p2 =	por $0x0, $0x0;
	[tilespmem:s20+$0x0 ss:$0x81] =	vst.msk $0xffff, v2  }
0x41: {  	s15 =	smul.u32 $0xC000, s15  }
0x42: {  	s17 =	sand.u32 $0x380, s14  }
.Ltmp5:
0x43: {  	s13 =	sshll.u32 s13, $0xA;
	s15 =	sadd.s32 s3, s15;
	(pc) =	sbr.rel .LBB1_7-.Ltmp5, $4  }
0x44: {  	s18 =	sshrl.u32 s14, $0x3;
	s30 =	sand.u32 $0x7, s14;
	s15 =	sadd.s32 s17, s15  }
0x45: {  	s31 =	sand.u32 $0xF, s18;
	s14 =	sshll.u32 s30, $0x12;
	s13 =	sadd.s32 s13, s15  }
0x46: {  	s14 =	sor.u32 $0x2000, s14;
	s13 =	sadd.s32 s31, s13  }
0x47: {  	[hbm4b:s13+s14] =	stream.strided.scatter [tilespmem:s16], [sflag:$0x2], $0x4000, s8, s14, $0x20;
	[tilespmem:$0x10100] =	vst v63  }
.LBB1_8:
0x48: {  	_ =	sfence.sel $0x180000  }
0x49: {  	s2 =	simm.s32 $0x1;
	[bflag:$0x0] =	sbarrier.arrive $0xFFFF  }
0x4a: {  	s31 =	simm.s32 $0x2;
	[sflag:s2] =	ssyncpa.u1 $0x1  }
0x4b: {  	[sflag:s31] =	ssyncpa.u1 $0x1  }
0x4c: {  	p0 =	sne.s32 s0, $0x0;
	_ =	strace $0x90000047  }
0x4d: {  	s0 =	sadd.s32 @!p0 $0x100000, s1;
	[bflag:$0x2] =	sbarrier.arrive $0xFFFF  }
0x4e: {  	[sflag:s0] =	ssyncadd.tile.s32 @!p0 $0x1;
	_ =	shalt  }
.Lfunc_end1:
_tile_overlayer_lowered:
.L_overlay_start_2:
0x4f: {  	(tag) =	ssettag $0x2  }
0x50: {  	s0 =	rddreg [dreg:$0x0];
	s2 =	stileid.u32  }
0x51: {  	s1 =	rddreg [dreg:$0x1];
	p0 =	sne.s32 s2, $0x0  }
0x52: {  	s3 =	rddreg [dreg:$0x2];
	[bflag:$0x3] =	sbarrier.arrive $0xFFFF;
	s2 =	simm.s32 @!p0 $0x1C01  }
0x53: {  	[timem:s3], [sflag:s2] =	dma.local @!p0 [hbm:s0], s1  }
0x54: {  	s0 =	simm.s32 @!p0 $0x1  }
0x55: {  	_ =	swait.ge @!p0 [sflag:s0], s1  }
0x56: {  	s1 =	ssub.s32 @!p0 $0x0, s1;
	[sflag:s0] =	ssyncset.done @!p0 $0x0  }
0x57: {  	[sflag:s0] =	ssyncadd.s32 @!p0 s1  }
0x58: {  	[bflag:$0x3] =	sbarrier.arrive $0xFFFF  }
0x59: {  	_ =	shalt  }

</sc_bundles>
